<compile_context>
chip_gen: v7x
topology: tpu7x:2x2x1
jax: 0.10.2.dev20260603
libtpu: 0.0.44.dev20260713+nightly
codegen_flags: <defaults>
</compile_context>

<pallas_src>
import functools

import jax
import jax.numpy as jnp
from jax import lax
from jax.experimental import pallas as pl
from jax.experimental.pallas import tpu as pltpu
from jax.experimental.pallas import tpu_sc as plsc

_NUM_CORES = 2
_NUM_SUBCORES = 16
_NUM_WORKERS = _NUM_CORES * _NUM_SUBCORES

_CHUNK = 16
_NBUF = 6


def _gather_rows(idx, table):
    b = idx.shape[0]
    d = table.shape[1]
    b_per_w = b // _NUM_WORKERS
    n_chunks = b_per_w // _CHUNK
    assert n_chunks >= 12 and (n_chunks - 10) % _NBUF == 0

    mesh = plsc.VectorSubcoreMesh(core_axis_name="c", subcore_axis_name="s")
    idx3 = idx.reshape(_NUM_WORKERS, n_chunks, _CHUNK)

    @functools.partial(
        pl.kernel,
        out_type=jax.ShapeDtypeStruct((b, d), jnp.float32),
        mesh=mesh,
        scratch_types=[
            pltpu.VMEM((n_chunks, _CHUNK), jnp.int32),
            pltpu.VMEM((_NBUF, _CHUNK, d), jnp.float32),
            pltpu.SemaphoreType.DMA,
            pltpu.SemaphoreType.DMA,
        ],
    )
    def sc_kernel(idx_hbm, table_hbm, out_hbm, idx_v, rows_v, gsem, ssem):
        wid = lax.axis_index("s") * _NUM_CORES + lax.axis_index("c")
        base = wid * b_per_w

        def gather(c, slot):
            pltpu.async_copy(table_hbm.at[idx_v.at[c]], rows_v.at[slot], gsem)

        def wait_gather(slot):
            pltpu.make_async_copy(
                table_hbm.at[idx_v.at[0]], rows_v.at[slot], gsem
            ).wait()

        def scatter(c, slot):
            pltpu.async_copy(
                rows_v.at[slot], out_hbm.at[pl.ds(base + c * _CHUNK, _CHUNK)], ssem
            )

        def drain_one_scatter():
            pltpu.make_async_copy(
                rows_v.at[0], out_hbm.at[pl.ds(base, _CHUNK)], ssem
            ).wait()

        pltpu.sync_copy(idx_hbm.at[wid], idx_v)

        gather(0, 0)
        gather(1, 1)
        gather(2, 2)
        for c in range(3):
            wait_gather(c % _NBUF)
            scatter(c, c % _NBUF)
            gather(c + 3, (c + 3) % _NBUF)

        @pl.loop(3, n_chunks - 7, step=_NBUF)
        def _(c0):
            for db in range(_NBUF):
                c = c0 + db
                slot_c = (3 + db) % _NBUF
                slot_n = (6 + db) % _NBUF
                wait_gather(slot_c)
                scatter(c, slot_c)
                drain_one_scatter()
                gather(c + 3, slot_n)

        for c in range(n_chunks - 7, n_chunks - 3):
            wait_gather(c % _NBUF)
            scatter(c, c % _NBUF)
            drain_one_scatter()
            gather(c + 3, (c + 3) % _NBUF)
        for c in range(n_chunks - 3, n_chunks):
            wait_gather(c % _NBUF)
            scatter(c, c % _NBUF)
            drain_one_scatter()
        for _unused in range(3):
            drain_one_scatter()

    return sc_kernel(idx3, table)


def kernel(timestep, pe_matrix):
    flat_idx = timestep.reshape(-1)
    out = _gather_rows(flat_idx, pe_matrix)
    return out.reshape(timestep.shape + (pe_matrix.shape[1],))

# --- scband reference (transcript-rebuilt; emitter-appended) ---
"""Pipeline reference for scband-sinusoidal-positional-embedding-71330816852301 (READ-ONLY COPY).

The authoritative reference and input builder live on the scoring server;
editing this copy changes nothing except your own understanding.
"""

import jax, jax.numpy as jnp
import numpy as np


def _generate_positional_matrix(max_timesteps: int, dimension: int) -> jnp.ndarray:
    even_indices = jnp.arange(0, dimension, 2, dtype=jnp.float32)
    log_term = jnp.log(jnp.float32(10000.0)) / dimension
    div_term = jnp.exp(even_indices * -log_term)
    timesteps = jnp.arange(max_timesteps, dtype=jnp.float32)[:, None]
    pe_matrix = jnp.zeros((max_timesteps, dimension), dtype=jnp.float32)
    pe_matrix = pe_matrix.at[:, 0::2].set(jnp.sin(timesteps * div_term))
    pe_matrix = pe_matrix.at[:, 1::2].set(jnp.cos(timesteps * div_term))
    return pe_matrix


DIMENSION = 1024
MAX_TIMESTEPS = 8192
BATCH = 4
SEQ_LEN = 8192


def setup_inputs(seed: int = 0) -> dict:
    key = jax.random.key(seed)
    timestep = jax.random.randint(key, (BATCH, SEQ_LEN), 0, MAX_TIMESTEPS, dtype=jnp.int32)
    pe_matrix = _generate_positional_matrix(MAX_TIMESTEPS, DIMENSION)
    return {"timestep": timestep, "pe_matrix": pe_matrix}


def reference(timestep, pe_matrix):
    # Equivalent of self.pe_matrix[timestep] in the torch module:
    # a row-gather from the precomputed sinusoidal table.
    return jnp.take(pe_matrix, timestep, axis=0)

if __name__ == "__main__":
    import jax
    _d = setup_inputs()
    print(jax.jit(kernel)(*tuple(_d.values())))

</pallas_src>

<mosaic_0001>
#map = affine_map<(d0, d1) -> (0, 0, 0)>
#map1 = affine_map<(d0, d1) -> (0, 0)>
module attributes {stable_mosaic.version = 14 : i64} {
  func.func @sc_kernel(%arg0: i32, %arg1: i32, %arg2: memref<32x64x16xi32, #tpu.memory_space<hbm>>, %arg3: memref<8192x1024xf32, #tpu.memory_space<hbm>>, %arg4: memref<32768x1024xf32, #tpu.memory_space<hbm>>, %arg5: memref<64x16xi32, #tpu.memory_space<vmem>>, %arg6: memref<6x16x1024xf32, #tpu.memory_space<vmem>>, %arg7: memref<!tpu.dma_semaphore, #tpu.memory_space<semaphore_mem>>, %arg8: memref<!tpu.dma_semaphore, #tpu.memory_space<semaphore_mem>>) attributes {dimension_semantics = [#tpu.dimension_semantics<core_parallel>, #tpu.dimension_semantics<subcore_parallel>], iteration_bounds = array<i64: 2, 16>, scalar_prefetch = 0 : i64, scratch_operands = 4 : i64, tpu.core_type = #tpu.core_type<sc_vector_subcore>, window_params = [{transform_indices = #map}, {transform_indices = #map1}, {transform_indices = #map1}]} {
    %mul3A = arith.constant 2 : i32
    %mul3A_0 = arith.muli %arg1, %mul3A : i32
    %add3A = arith.addi %mul3A_0, %arg0 : i32
    %mul3A_1 = arith.constant 1024 : i32
    %mul3A_2 = arith.muli %add3A, %mul3A_1 : i32
    "tpu.region"() ({
      %run_scoped3A = tpu.sem_alloc : memref<!tpu.dma_semaphore, #tpu.memory_space<semaphore_mem>>
      %dma_start3A_525 = arith.constant 0 : i32
      %dma_start3A_526 = arith.constant 0 : i32
      %dma_start3A_527 = tpu.memref_slice %arg2[%add3A, %dma_start3A_525, %dma_start3A_526] : memref<32x64x16xi32, #tpu.memory_space<hbm>> -> memref<1x64x16xi32, #tpu.memory_space<hbm>>
      %dma_start3A_528 = tpu.memref_squeeze %dma_start3A_527 : memref<1x64x16xi32, #tpu.memory_space<hbm>> -> memref<64x16xi32, #tpu.memory_space<hbm>>
      %dma_start3A_529 = arith.constant 0 : i32
      %dma_start3A_530 = arith.constant 0 : i32
      %dma_start3A_531 = tpu.memref_slice %arg2[%add3A, %dma_start3A_529, %dma_start3A_530] : memref<32x64x16xi32, #tpu.memory_space<hbm>> -> memref<1x64x16xi32, #tpu.memory_space<hbm>>
      %dma_start3A_532 = tpu.memref_squeeze %dma_start3A_531 : memref<1x64x16xi32, #tpu.memory_space<hbm>> -> memref<64x16xi32, #tpu.memory_space<hbm>>
      tpu.enqueue_dma source(%dma_start3A_532 : memref<64x16xi32, #tpu.memory_space<hbm>>) target(%arg5 : memref<64x16xi32, #tpu.memory_space<vmem>>) target_semaphore(%run_scoped3A : memref<!tpu.dma_semaphore, #tpu.memory_space<semaphore_mem>>)
      %dma_wait3A_533 = arith.constant 0 : i32
      %dma_wait3A_534 = arith.constant 0 : i32
      %dma_wait3A_535 = tpu.memref_slice %arg2[%add3A, %dma_wait3A_533, %dma_wait3A_534] : memref<32x64x16xi32, #tpu.memory_space<hbm>> -> memref<1x64x16xi32, #tpu.memory_space<hbm>>
      %dma_wait3A_536 = tpu.memref_squeeze %dma_wait3A_535 : memref<1x64x16xi32, #tpu.memory_space<hbm>> -> memref<64x16xi32, #tpu.memory_space<hbm>>
      %dma_wait3A_537 = arith.constant 0 : i32
      %dma_wait3A_538 = arith.constant 0 : i32
      %dma_wait3A_539 = tpu.memref_slice %arg2[%add3A, %dma_wait3A_537, %dma_wait3A_538] : memref<32x64x16xi32, #tpu.memory_space<hbm>> -> memref<1x64x16xi32, #tpu.memory_space<hbm>>
      %dma_wait3A_540 = tpu.memref_squeeze %dma_wait3A_539 : memref<1x64x16xi32, #tpu.memory_space<hbm>> -> memref<64x16xi32, #tpu.memory_space<hbm>>
      tpu.wait_dma2 semaphore(%run_scoped3A : memref<!tpu.dma_semaphore, #tpu.memory_space<semaphore_mem>>) src(%dma_wait3A_540 : memref<64x16xi32, #tpu.memory_space<hbm>>) dst(%arg5 : memref<64x16xi32, #tpu.memory_space<vmem>>)
      tpu.yield
    }) : () -> ()
    %dma_start3A = arith.constant 0 : i32
    %dma_start3A_3 = arith.constant 0 : i32
    %dma_start3A_4 = arith.constant 0 : i32
    %dma_start3A_5 = arith.constant 0 : i32
    %dma_start3A_6 = tpu.memref_slice %arg6[%dma_start3A_3, %dma_start3A_4, %dma_start3A_5] : memref<6x16x1024xf32, #tpu.memory_space<vmem>> -> memref<1x16x1024xf32, #tpu.memory_space<vmem>>
    %dma_start3A_7 = tpu.memref_squeeze %dma_start3A_6 : memref<1x16x1024xf32, #tpu.memory_space<vmem>> -> memref<16x1024xf32, #tpu.memory_space<vmem>>
    %dma_start3A_8 = arith.constant 0 : i32
    %dma_start3A_9 = tpu.memref_slice %arg5[%dma_start3A, %dma_start3A_8] : memref<64x16xi32, #tpu.memory_space<vmem>> -> memref<1x16xi32, #tpu.memory_space<vmem>>
    %dma_start3A_10 = tpu.memref_squeeze %dma_start3A_9 : memref<1x16xi32, #tpu.memory_space<vmem>> -> memref<16xi32, #tpu.memory_space<vmem>>
    %dma_start3A_11 = arith.constant 0 : i32
    %dma_start3A_12 = arith.constant 0 : i32
    %dma_start3A_13 = tpu.memref_slice %arg3[%dma_start3A_11, %dma_start3A_12] : memref<8192x1024xf32, #tpu.memory_space<hbm>> -> memref<8192x1024xf32, #tpu.memory_space<hbm>>
    tpu.enqueue_indirect_dma source(%dma_start3A_13 : memref<8192x1024xf32, #tpu.memory_space<hbm>>) target(%dma_start3A_7 : memref<16x1024xf32, #tpu.memory_space<vmem>>) offsets(%dma_start3A_10 : memref<16xi32, #tpu.memory_space<vmem>>) semaphore(%arg7 : memref<!tpu.dma_semaphore, #tpu.memory_space<semaphore_mem>>)
    %dma_start3A_14 = arith.constant 1 : i32
    %dma_start3A_15 = arith.constant 1 : i32
    %dma_start3A_16 = arith.constant 0 : i32
    %dma_start3A_17 = arith.constant 0 : i32
    %dma_start3A_18 = tpu.memref_slice %arg6[%dma_start3A_15, %dma_start3A_16, %dma_start3A_17] : memref<6x16x1024xf32, #tpu.memory_space<vmem>> -> memref<1x16x1024xf32, #tpu.memory_space<vmem>>
    %dma_start3A_19 = tpu.memref_squeeze %dma_start3A_18 : memref<1x16x1024xf32, #tpu.memory_space<vmem>> -> memref<16x1024xf32, #tpu.memory_space<vmem>>
    %dma_start3A_20 = arith.constant 0 : i32
    %dma_start3A_21 = tpu.memref_slice %arg5[%dma_start3A_14, %dma_start3A_20] : memref<64x16xi32, #tpu.memory_space<vmem>> -> memref<1x16xi32, #tpu.memory_space<vmem>>
    %dma_start3A_22 = tpu.memref_squeeze %dma_start3A_21 : memref<1x16xi32, #tpu.memory_space<vmem>> -> memref<16xi32, #tpu.memory_space<vmem>>
    %dma_start3A_23 = arith.constant 0 : i32
    %dma_start3A_24 = arith.constant 0 : i32
    %dma_start3A_25 = tpu.memref_slice %arg3[%dma_start3A_23, %dma_start3A_24] : memref<8192x1024xf32, #tpu.memory_space<hbm>> -> memref<8192x1024xf32, #tpu.memory_space<hbm>>
    tpu.enqueue_indirect_dma source(%dma_start3A_25 : memref<8192x1024xf32, #tpu.memory_space<hbm>>) target(%dma_start3A_19 : memref<16x1024xf32, #tpu.memory_space<vmem>>) offsets(%dma_start3A_22 : memref<16xi32, #tpu.memory_space<vmem>>) semaphore(%arg7 : memref<!tpu.dma_semaphore, #tpu.memory_space<semaphore_mem>>)
    %dma_start3A_26 = arith.constant 2 : i32
    %dma_start3A_27 = arith.constant 2 : i32
    %dma_start3A_28 = arith.constant 0 : i32
    %dma_start3A_29 = arith.constant 0 : i32
    %dma_start3A_30 = tpu.memref_slice %arg6[%dma_start3A_27, %dma_start3A_28, %dma_start3A_29] : memref<6x16x1024xf32, #tpu.memory_space<vmem>> -> memref<1x16x1024xf32, #tpu.memory_space<vmem>>
    %dma_start3A_31 = tpu.memref_squeeze %dma_start3A_30 : memref<1x16x1024xf32, #tpu.memory_space<vmem>> -> memref<16x1024xf32, #tpu.memory_space<vmem>>
    %dma_start3A_32 = arith.constant 0 : i32
    %dma_start3A_33 = tpu.memref_slice %arg5[%dma_start3A_26, %dma_start3A_32] : memref<64x16xi32, #tpu.memory_space<vmem>> -> memref<1x16xi32, #tpu.memory_space<vmem>>
    %dma_start3A_34 = tpu.memref_squeeze %dma_start3A_33 : memref<1x16xi32, #tpu.memory_space<vmem>> -> memref<16xi32, #tpu.memory_space<vmem>>
    %dma_start3A_35 = arith.constant 0 : i32
    %dma_start3A_36 = arith.constant 0 : i32
    %dma_start3A_37 = tpu.memref_slice %arg3[%dma_start3A_35, %dma_start3A_36] : memref<8192x1024xf32, #tpu.memory_space<hbm>> -> memref<8192x1024xf32, #tpu.memory_space<hbm>>
    tpu.enqueue_indirect_dma source(%dma_start3A_37 : memref<8192x1024xf32, #tpu.memory_space<hbm>>) target(%dma_start3A_31 : memref<16x1024xf32, #tpu.memory_space<vmem>>) offsets(%dma_start3A_34 : memref<16xi32, #tpu.memory_space<vmem>>) semaphore(%arg7 : memref<!tpu.dma_semaphore, #tpu.memory_space<semaphore_mem>>)
    %dma_wait3A = arith.constant 0 : i32
    %dma_wait3A_38 = arith.constant 0 : i32
    %dma_wait3A_39 = arith.constant 0 : i32
    %dma_wait3A_40 = arith.constant 0 : i32
    %dma_wait3A_41 = tpu.memref_slice %arg6[%dma_wait3A_38, %dma_wait3A_39, %dma_wait3A_40] : memref<6x16x1024xf32, #tpu.memory_space<vmem>> -> memref<1x16x1024xf32, #tpu.memory_space<vmem>>
    %dma_wait3A_42 = tpu.memref_squeeze %dma_wait3A_41 : memref<1x16x1024xf32, #tpu.memory_space<vmem>> -> memref<16x1024xf32, #tpu.memory_space<vmem>>
    %dma_wait3A_43 = arith.constant 0 : i32
    %dma_wait3A_44 = tpu.memref_slice %arg5[%dma_wait3A, %dma_wait3A_43] : memref<64x16xi32, #tpu.memory_space<vmem>> -> memref<1x16xi32, #tpu.memory_space<vmem>>
    %dma_wait3A_45 = tpu.memref_squeeze %dma_wait3A_44 : memref<1x16xi32, #tpu.memory_space<vmem>> -> memref<16xi32, #tpu.memory_space<vmem>>
    %dma_wait3A_46 = arith.constant 0 : i32
    %dma_wait3A_47 = arith.constant 0 : i32
    %dma_wait3A_48 = tpu.memref_slice %arg3[%dma_wait3A_46, %dma_wait3A_47] : memref<8192x1024xf32, #tpu.memory_space<hbm>> -> memref<8192x1024xf32, #tpu.memory_space<hbm>>
    tpu.wait_indirect_dma semaphore(%arg7 : memref<!tpu.dma_semaphore, #tpu.memory_space<semaphore_mem>>) src(%dma_wait3A_48 : memref<8192x1024xf32, #tpu.memory_space<hbm>>) dst(%dma_wait3A_42 : memref<16x1024xf32, #tpu.memory_space<vmem>>)
    %add3A_49 = arith.constant 0 : i32
    %add3A_50 = arith.addi %mul3A_2, %add3A_49 : i32
    %dma_start3A_51 = arith.constant 0 : i32
    %dma_start3A_52 = arith.constant 0 : i32
    %dma_start3A_53 = arith.constant 0 : i32
    %dma_start3A_54 = tpu.memref_slice %arg6[%dma_start3A_51, %dma_start3A_52, %dma_start3A_53] : memref<6x16x1024xf32, #tpu.memory_space<vmem>> -> memref<1x16x1024xf32, #tpu.memory_space<vmem>>
    %dma_start3A_55 = tpu.memref_squeeze %dma_start3A_54 : memref<1x16x1024xf32, #tpu.memory_space<vmem>> -> memref<16x1024xf32, #tpu.memory_space<vmem>>
    %dma_start3A_56 = arith.constant 0 : i32
    %dma_start3A_57 = tpu.memref_slice %arg4[%add3A_50, %dma_start3A_56] : memref<32768x1024xf32, #tpu.memory_space<hbm>> -> memref<16x1024xf32, #tpu.memory_space<hbm>>
    %dma_start3A_58 = arith.constant 0 : i32
    %dma_start3A_59 = tpu.memref_slice %arg4[%add3A_50, %dma_start3A_58] : memref<32768x1024xf32, #tpu.memory_space<hbm>> -> memref<16x1024xf32, #tpu.memory_space<hbm>>
    %dma_start3A_60 = arith.constant 0 : i32
    %dma_start3A_61 = arith.constant 0 : i32
    %dma_start3A_62 = tpu.memref_slice %arg6[%dma_start3A_51, %dma_start3A_60, %dma_start3A_61] : memref<6x16x1024xf32, #tpu.memory_space<vmem>> -> memref<1x16x1024xf32, #tpu.memory_space<vmem>>
    %dma_start3A_63 = tpu.memref_squeeze %dma_start3A_62 : memref<1x16x1024xf32, #tpu.memory_space<vmem>> -> memref<16x1024xf32, #tpu.memory_space<vmem>>
    tpu.enqueue_dma source(%dma_start3A_63 : memref<16x1024xf32, #tpu.memory_space<vmem>>) target(%dma_start3A_59 : memref<16x1024xf32, #tpu.memory_space<hbm>>) target_semaphore(%arg8 : memref<!tpu.dma_semaphore, #tpu.memory_space<semaphore_mem>>)
    %dma_start3A_64 = arith.constant 3 : i32
    %dma_start3A_65 = arith.constant 3 : i32
    %dma_start3A_66 = arith.constant 0 : i32
    %dma_start3A_67 = arith.constant 0 : i32
    %dma_start3A_68 = tpu.memref_slice %arg6[%dma_start3A_65, %dma_start3A_66, %dma_start3A_67] : memref<6x16x1024xf32, #tpu.memory_space<vmem>> -> memref<1x16x1024xf32, #tpu.memory_space<vmem>>
    %dma_start3A_69 = tpu.memref_squeeze %dma_start3A_68 : memref<1x16x1024xf32, #tpu.memory_space<vmem>> -> memref<16x1024xf32, #tpu.memory_space<vmem>>
    %dma_start3A_70 = arith.constant 0 : i32
    %dma_start3A_71 = tpu.memref_slice %arg5[%dma_start3A_64, %dma_start3A_70] : memref<64x16xi32, #tpu.memory_space<vmem>> -> memref<1x16xi32, #tpu.memory_space<vmem>>
    %dma_start3A_72 = tpu.memref_squeeze %dma_start3A_71 : memref<1x16xi32, #tpu.memory_space<vmem>> -> memref<16xi32, #tpu.memory_space<vmem>>
    %dma_start3A_73 = arith.constant 0 : i32
    %dma_start3A_74 = arith.constant 0 : i32
    %dma_start3A_75 = tpu.memref_slice %arg3[%dma_start3A_73, %dma_start3A_74] : memref<8192x1024xf32, #tpu.memory_space<hbm>> -> memref<8192x1024xf32, #tpu.memory_space<hbm>>
    tpu.enqueue_indirect_dma source(%dma_start3A_75 : memref<8192x1024xf32, #tpu.memory_space<hbm>>) target(%dma_start3A_69 : memref<16x1024xf32, #tpu.memory_space<vmem>>) offsets(%dma_start3A_72 : memref<16xi32, #tpu.memory_space<vmem>>) semaphore(%arg7 : memref<!tpu.dma_semaphore, #tpu.memory_space<semaphore_mem>>)
    %dma_wait3A_76 = arith.constant 0 : i32
    %dma_wait3A_77 = arith.constant 1 : i32
    %dma_wait3A_78 = arith.constant 0 : i32
    %dma_wait3A_79 = arith.constant 0 : i32
    %dma_wait3A_80 = tpu.memref_slice %arg6[%dma_wait3A_77, %dma_wait3A_78, %dma_wait3A_79] : memref<6x16x1024xf32, #tpu.memory_space<vmem>> -> memref<1x16x1024xf32, #tpu.memory_space<vmem>>
    %dma_wait3A_81 = tpu.memref_squeeze %dma_wait3A_80 : memref<1x16x1024xf32, #tpu.memory_space<vmem>> -> memref<16x1024xf32, #tpu.memory_space<vmem>>
    %dma_wait3A_82 = arith.constant 0 : i32
    %dma_wait3A_83 = tpu.memref_slice %arg5[%dma_wait3A_76, %dma_wait3A_82] : memref<64x16xi32, #tpu.memory_space<vmem>> -> memref<1x16xi32, #tpu.memory_space<vmem>>
    %dma_wait3A_84 = tpu.memref_squeeze %dma_wait3A_83 : memref<1x16xi32, #tpu.memory_space<vmem>> -> memref<16xi32, #tpu.memory_space<vmem>>
    %dma_wait3A_85 = arith.constant 0 : i32
    %dma_wait3A_86 = arith.constant 0 : i32
    %dma_wait3A_87 = tpu.memref_slice %arg3[%dma_wait3A_85, %dma_wait3A_86] : memref<8192x1024xf32, #tpu.memory_space<hbm>> -> memref<8192x1024xf32, #tpu.memory_space<hbm>>
    tpu.wait_indirect_dma semaphore(%arg7 : memref<!tpu.dma_semaphore, #tpu.memory_space<semaphore_mem>>) src(%dma_wait3A_87 : memref<8192x1024xf32, #tpu.memory_space<hbm>>) dst(%dma_wait3A_81 : memref<16x1024xf32, #tpu.memory_space<vmem>>)
    %add3A_88 = arith.constant 16 : i32
    %add3A_89 = arith.addi %mul3A_2, %add3A_88 : i32
    %dma_start3A_90 = arith.constant 1 : i32
    %dma_start3A_91 = arith.constant 0 : i32
    %dma_start3A_92 = arith.constant 0 : i32
    %dma_start3A_93 = tpu.memref_slice %arg6[%dma_start3A_90, %dma_start3A_91, %dma_start3A_92] : memref<6x16x1024xf32, #tpu.memory_space<vmem>> -> memref<1x16x1024xf32, #tpu.memory_space<vmem>>
    %dma_start3A_94 = tpu.memref_squeeze %dma_start3A_93 : memref<1x16x1024xf32, #tpu.memory_space<vmem>> -> memref<16x1024xf32, #tpu.memory_space<vmem>>
    %dma_start3A_95 = arith.constant 0 : i32
    %dma_start3A_96 = tpu.memref_slice %arg4[%add3A_89, %dma_start3A_95] : memref<32768x1024xf32, #tpu.memory_space<hbm>> -> memref<16x1024xf32, #tpu.memory_space<hbm>>
    %dma_start3A_97 = arith.constant 0 : i32
    %dma_start3A_98 = tpu.memref_slice %arg4[%add3A_89, %dma_start3A_97] : memref<32768x1024xf32, #tpu.memory_space<hbm>> -> memref<16x1024xf32, #tpu.memory_space<hbm>>
    %dma_start3A_99 = arith.constant 0 : i32
    %dma_start3A_100 = arith.constant 0 : i32
    %dma_start3A_101 = tpu.memref_slice %arg6[%dma_start3A_90, %dma_start3A_99, %dma_start3A_100] : memref<6x16x1024xf32, #tpu.memory_space<vmem>> -> memref<1x16x1024xf32, #tpu.memory_space<vmem>>
    %dma_start3A_102 = tpu.memref_squeeze %dma_start3A_101 : memref<1x16x1024xf32, #tpu.memory_space<vmem>> -> memref<16x1024xf32, #tpu.memory_space<vmem>>
    tpu.enqueue_dma source(%dma_start3A_102 : memref<16x1024xf32, #tpu.memory_space<vmem>>) target(%dma_start3A_98 : memref<16x1024xf32, #tpu.memory_space<hbm>>) target_semaphore(%arg8 : memref<!tpu.dma_semaphore, #tpu.memory_space<semaphore_mem>>)
    %dma_start3A_103 = arith.constant 4 : i32
    %dma_start3A_104 = arith.constant 4 : i32
    %dma_start3A_105 = arith.constant 0 : i32
    %dma_start3A_106 = arith.constant 0 : i32
    %dma_start3A_107 = tpu.memref_slice %arg6[%dma_start3A_104, %dma_start3A_105, %dma_start3A_106] : memref<6x16x1024xf32, #tpu.memory_space<vmem>> -> memref<1x16x1024xf32, #tpu.memory_space<vmem>>
    %dma_start3A_108 = tpu.memref_squeeze %dma_start3A_107 : memref<1x16x1024xf32, #tpu.memory_space<vmem>> -> memref<16x1024xf32, #tpu.memory_space<vmem>>
    %dma_start3A_109 = arith.constant 0 : i32
    %dma_start3A_110 = tpu.memref_slice %arg5[%dma_start3A_103, %dma_start3A_109] : memref<64x16xi32, #tpu.memory_space<vmem>> -> memref<1x16xi32, #tpu.memory_space<vmem>>
    %dma_start3A_111 = tpu.memref_squeeze %dma_start3A_110 : memref<1x16xi32, #tpu.memory_space<vmem>> -> memref<16xi32, #tpu.memory_space<vmem>>
    %dma_start3A_112 = arith.constant 0 : i32
    %dma_start3A_113 = arith.constant 0 : i32
    %dma_start3A_114 = tpu.memref_slice %arg3[%dma_start3A_112, %dma_start3A_113] : memref<8192x1024xf32, #tpu.memory_space<hbm>> -> memref<8192x1024xf32, #tpu.memory_space<hbm>>
    tpu.enqueue_indirect_dma source(%dma_start3A_114 : memref<8192x1024xf32, #tpu.memory_space<hbm>>) target(%dma_start3A_108 : memref<16x1024xf32, #tpu.memory_space<vmem>>) offsets(%dma_start3A_111 : memref<16xi32, #tpu.memory_space<vmem>>) semaphore(%arg7 : memref<!tpu.dma_semaphore, #tpu.memory_space<semaphore_mem>>)
    %dma_wait3A_115 = arith.constant 0 : i32
    %dma_wait3A_116 = arith.constant 2 : i32
    %dma_wait3A_117 = arith.constant 0 : i32
    %dma_wait3A_118 = arith.constant 0 : i32
    %dma_wait3A_119 = tpu.memref_slice %arg6[%dma_wait3A_116, %dma_wait3A_117, %dma_wait3A_118] : memref<6x16x1024xf32, #tpu.memory_space<vmem>> -> memref<1x16x1024xf32, #tpu.memory_space<vmem>>
    %dma_wait3A_120 = tpu.memref_squeeze %dma_wait3A_119 : memref<1x16x1024xf32, #tpu.memory_space<vmem>> -> memref<16x1024xf32, #tpu.memory_space<vmem>>
    %dma_wait3A_121 = arith.constant 0 : i32
    %dma_wait3A_122 = tpu.memref_slice %arg5[%dma_wait3A_115, %dma_wait3A_121] : memref<64x16xi32, #tpu.memory_space<vmem>> -> memref<1x16xi32, #tpu.memory_space<vmem>>
    %dma_wait3A_123 = tpu.memref_squeeze %dma_wait3A_122 : memref<1x16xi32, #tpu.memory_space<vmem>> -> memref<16xi32, #tpu.memory_space<vmem>>
    %dma_wait3A_124 = arith.constant 0 : i32
    %dma_wait3A_125 = arith.constant 0 : i32
    %dma_wait3A_126 = tpu.memref_slice %arg3[%dma_wait3A_124, %dma_wait3A_125] : memref<8192x1024xf32, #tpu.memory_space<hbm>> -> memref<8192x1024xf32, #tpu.memory_space<hbm>>
    tpu.wait_indirect_dma semaphore(%arg7 : memref<!tpu.dma_semaphore, #tpu.memory_space<semaphore_mem>>) src(%dma_wait3A_126 : memref<8192x1024xf32, #tpu.memory_space<hbm>>) dst(%dma_wait3A_120 : memref<16x1024xf32, #tpu.memory_space<vmem>>)
    %add3A_127 = arith.constant 32 : i32
    %add3A_128 = arith.addi %mul3A_2, %add3A_127 : i32
    %dma_start3A_129 = arith.constant 2 : i32
    %dma_start3A_130 = arith.constant 0 : i32
    %dma_start3A_131 = arith.constant 0 : i32
    %dma_start3A_132 = tpu.memref_slice %arg6[%dma_start3A_129, %dma_start3A_130, %dma_start3A_131] : memref<6x16x1024xf32, #tpu.memory_space<vmem>> -> memref<1x16x1024xf32, #tpu.memory_space<vmem>>
    %dma_start3A_133 = tpu.memref_squeeze %dma_start3A_132 : memref<1x16x1024xf32, #tpu.memory_space<vmem>> -> memref<16x1024xf32, #tpu.memory_space<vmem>>
    %dma_start3A_134 = arith.constant 0 : i32
    %dma_start3A_135 = tpu.memref_slice %arg4[%add3A_128, %dma_start3A_134] : memref<32768x1024xf32, #tpu.memory_space<hbm>> -> memref<16x1024xf32, #tpu.memory_space<hbm>>
    %dma_start3A_136 = arith.constant 0 : i32
    %dma_start3A_137 = tpu.memref_slice %arg4[%add3A_128, %dma_start3A_136] : memref<32768x1024xf32, #tpu.memory_space<hbm>> -> memref<16x1024xf32, #tpu.memory_space<hbm>>
    %dma_start3A_138 = arith.constant 0 : i32
    %dma_start3A_139 = arith.constant 0 : i32
    %dma_start3A_140 = tpu.memref_slice %arg6[%dma_start3A_129, %dma_start3A_138, %dma_start3A_139] : memref<6x16x1024xf32, #tpu.memory_space<vmem>> -> memref<1x16x1024xf32, #tpu.memory_space<vmem>>
    %dma_start3A_141 = tpu.memref_squeeze %dma_start3A_140 : memref<1x16x1024xf32, #tpu.memory_space<vmem>> -> memref<16x1024xf32, #tpu.memory_space<vmem>>
    tpu.enqueue_dma source(%dma_start3A_141 : memref<16x1024xf32, #tpu.memory_space<vmem>>) target(%dma_start3A_137 : memref<16x1024xf32, #tpu.memory_space<hbm>>) target_semaphore(%arg8 : memref<!tpu.dma_semaphore, #tpu.memory_space<semaphore_mem>>)
    %dma_start3A_142 = arith.constant 5 : i32
    %dma_start3A_143 = arith.constant 5 : i32
    %dma_start3A_144 = arith.constant 0 : i32
    %dma_start3A_145 = arith.constant 0 : i32
    %dma_start3A_146 = tpu.memref_slice %arg6[%dma_start3A_143, %dma_start3A_144, %dma_start3A_145] : memref<6x16x1024xf32, #tpu.memory_space<vmem>> -> memref<1x16x1024xf32, #tpu.memory_space<vmem>>
    %dma_start3A_147 = tpu.memref_squeeze %dma_start3A_146 : memref<1x16x1024xf32, #tpu.memory_space<vmem>> -> memref<16x1024xf32, #tpu.memory_space<vmem>>
    %dma_start3A_148 = arith.constant 0 : i32
    %dma_start3A_149 = tpu.memref_slice %arg5[%dma_start3A_142, %dma_start3A_148] : memref<64x16xi32, #tpu.memory_space<vmem>> -> memref<1x16xi32, #tpu.memory_space<vmem>>
    %dma_start3A_150 = tpu.memref_squeeze %dma_start3A_149 : memref<1x16xi32, #tpu.memory_space<vmem>> -> memref<16xi32, #tpu.memory_space<vmem>>
    %dma_start3A_151 = arith.constant 0 : i32
    %dma_start3A_152 = arith.constant 0 : i32
    %dma_start3A_153 = tpu.memref_slice %arg3[%dma_start3A_151, %dma_start3A_152] : memref<8192x1024xf32, #tpu.memory_space<hbm>> -> memref<8192x1024xf32, #tpu.memory_space<hbm>>
    tpu.enqueue_indirect_dma source(%dma_start3A_153 : memref<8192x1024xf32, #tpu.memory_space<hbm>>) target(%dma_start3A_147 : memref<16x1024xf32, #tpu.memory_space<vmem>>) offsets(%dma_start3A_150 : memref<16xi32, #tpu.memory_space<vmem>>) semaphore(%arg7 : memref<!tpu.dma_semaphore, #tpu.memory_space<semaphore_mem>>)
    %scan3A = arith.constant 0 : i32
    %scan3A_154 = arith.constant 9 : i32
    %scan3A_155 = arith.addi %scan3A, %scan3A_154 : i32
    %scan3A_156 = arith.constant 1 : i32
    scf.for %scan3A_525 = %scan3A to %scan3A_155 step %scan3A_156  : i32 {
      %mul3A_526 = arith.constant 6 : i32
      %mul3A_527 = arith.muli %scan3A_525, %mul3A_526 : i32
      %add3A_528 = arith.constant 3 : i32
      %add3A_529 = arith.addi %add3A_528, %mul3A_527 : i32
      %add3A_530 = arith.constant 0 : i32
      %add3A_531 = arith.addi %add3A_529, %add3A_530 : i32
      %dma_wait3A_532 = arith.constant 0 : i32
      %dma_wait3A_533 = arith.constant 3 : i32
      %dma_wait3A_534 = arith.constant 0 : i32
      %dma_wait3A_535 = arith.constant 0 : i32
      %dma_wait3A_536 = tpu.memref_slice %arg6[%dma_wait3A_533, %dma_wait3A_534, %dma_wait3A_535] : memref<6x16x1024xf32, #tpu.memory_space<vmem>> -> memref<1x16x1024xf32, #tpu.memory_space<vmem>>
      %dma_wait3A_537 = tpu.memref_squeeze %dma_wait3A_536 : memref<1x16x1024xf32, #tpu.memory_space<vmem>> -> memref<16x1024xf32, #tpu.memory_space<vmem>>
      %dma_wait3A_538 = arith.constant 0 : i32
      %dma_wait3A_539 = tpu.memref_slice %arg5[%dma_wait3A_532, %dma_wait3A_538] : memref<64x16xi32, #tpu.memory_space<vmem>> -> memref<1x16xi32, #tpu.memory_space<vmem>>
      %dma_wait3A_540 = tpu.memref_squeeze %dma_wait3A_539 : memref<1x16xi32, #tpu.memory_space<vmem>> -> memref<16xi32, #tpu.memory_space<vmem>>
      %dma_wait3A_541 = arith.constant 0 : i32
      %dma_wait3A_542 = arith.constant 0 : i32
      %dma_wait3A_543 = tpu.memref_slice %arg3[%dma_wait3A_541, %dma_wait3A_542] : memref<8192x1024xf32, #tpu.memory_space<hbm>> -> memref<8192x1024xf32, #tpu.memory_space<hbm>>
      tpu.wait_indirect_dma semaphore(%arg7 : memref<!tpu.dma_semaphore, #tpu.memory_space<semaphore_mem>>) src(%dma_wait3A_543 : memref<8192x1024xf32, #tpu.memory_space<hbm>>) dst(%dma_wait3A_537 : memref<16x1024xf32, #tpu.memory_space<vmem>>)
      %mul3A_544 = arith.constant 16 : i32
      %mul3A_545 = arith.muli %add3A_531, %mul3A_544 : i32
      %add3A_546 = arith.addi %mul3A_2, %mul3A_545 : i32
      %dma_start3A_547 = arith.constant 3 : i32
      %dma_start3A_548 = arith.constant 0 : i32
      %dma_start3A_549 = arith.constant 0 : i32
      %dma_start3A_550 = tpu.memref_slice %arg6[%dma_start3A_547, %dma_start3A_548, %dma_start3A_549] : memref<6x16x1024xf32, #tpu.memory_space<vmem>> -> memref<1x16x1024xf32, #tpu.memory_space<vmem>>
      %dma_start3A_551 = tpu.memref_squeeze %dma_start3A_550 : memref<1x16x1024xf32, #tpu.memory_space<vmem>> -> memref<16x1024xf32, #tpu.memory_space<vmem>>
      %dma_start3A_552 = arith.constant 0 : i32
      %dma_start3A_553 = tpu.memref_slice %arg4[%add3A_546, %dma_start3A_552] : memref<32768x1024xf32, #tpu.memory_space<hbm>> -> memref<16x1024xf32, #tpu.memory_space<hbm>>
      %dma_start3A_554 = arith.constant 0 : i32
      %dma_start3A_555 = tpu.memref_slice %arg4[%add3A_546, %dma_start3A_554] : memref<32768x1024xf32, #tpu.memory_space<hbm>> -> memref<16x1024xf32, #tpu.memory_space<hbm>>
      %dma_start3A_556 = arith.constant 0 : i32
      %dma_start3A_557 = arith.constant 0 : i32
      %dma_start3A_558 = tpu.memref_slice %arg6[%dma_start3A_547, %dma_start3A_556, %dma_start3A_557] : memref<6x16x1024xf32, #tpu.memory_space<vmem>> -> memref<1x16x1024xf32, #tpu.memory_space<vmem>>
      %dma_start3A_559 = tpu.memref_squeeze %dma_start3A_558 : memref<1x16x1024xf32, #tpu.memory_space<vmem>> -> memref<16x1024xf32, #tpu.memory_space<vmem>>
      tpu.enqueue_dma source(%dma_start3A_559 : memref<16x1024xf32, #tpu.memory_space<vmem>>) target(%dma_start3A_555 : memref<16x1024xf32, #tpu.memory_space<hbm>>) target_semaphore(%arg8 : memref<!tpu.dma_semaphore, #tpu.memory_space<semaphore_mem>>)
      %dma_wait3A_560 = arith.constant 0 : i32
      %dma_wait3A_561 = arith.constant 0 : i32
      %dma_wait3A_562 = arith.constant 0 : i32
      %dma_wait3A_563 = tpu.memref_slice %arg6[%dma_wait3A_560, %dma_wait3A_561, %dma_wait3A_562] : memref<6x16x1024xf32, #tpu.memory_space<vmem>> -> memref<1x16x1024xf32, #tpu.memory_space<vmem>>
      %dma_wait3A_564 = tpu.memref_squeeze %dma_wait3A_563 : memref<1x16x1024xf32, #tpu.memory_space<vmem>> -> memref<16x1024xf32, #tpu.memory_space<vmem>>
      %dma_wait3A_565 = arith.constant 0 : i32
      %dma_wait3A_566 = tpu.memref_slice %arg4[%mul3A_2, %dma_wait3A_565] : memref<32768x1024xf32, #tpu.memory_space<hbm>> -> memref<16x1024xf32, #tpu.memory_space<hbm>>
      %dma_wait3A_567 = arith.constant 0 : i32
      %dma_wait3A_568 = tpu.memref_slice %arg4[%mul3A_2, %dma_wait3A_567] : memref<32768x1024xf32, #tpu.memory_space<hbm>> -> memref<16x1024xf32, #tpu.memory_space<hbm>>
      %dma_wait3A_569 = arith.constant 0 : i32
      %dma_wait3A_570 = arith.constant 0 : i32
      %dma_wait3A_571 = tpu.memref_slice %arg6[%dma_wait3A_560, %dma_wait3A_569, %dma_wait3A_570] : memref<6x16x1024xf32, #tpu.memory_space<vmem>> -> memref<1x16x1024xf32, #tpu.memory_space<vmem>>
      %dma_wait3A_572 = tpu.memref_squeeze %dma_wait3A_571 : memref<1x16x1024xf32, #tpu.memory_space<vmem>> -> memref<16x1024xf32, #tpu.memory_space<vmem>>
      tpu.wait_dma2 semaphore(%arg8 : memref<!tpu.dma_semaphore, #tpu.memory_space<semaphore_mem>>) src(%dma_wait3A_572 : memref<16x1024xf32, #tpu.memory_space<vmem>>) dst(%dma_wait3A_568 : memref<16x1024xf32, #tpu.memory_space<hbm>>)
      %add3A_573 = arith.constant 3 : i32
      %add3A_574 = arith.addi %add3A_531, %add3A_573 : i32
      %dma_start3A_575 = arith.constant 0 : i32
      %dma_start3A_576 = arith.constant 0 : i32
      %dma_start3A_577 = arith.constant 0 : i32
      %dma_start3A_578 = tpu.memref_slice %arg6[%dma_start3A_575, %dma_start3A_576, %dma_start3A_577] : memref<6x16x1024xf32, #tpu.memory_space<vmem>> -> memref<1x16x1024xf32, #tpu.memory_space<vmem>>
      %dma_start3A_579 = tpu.memref_squeeze %dma_start3A_578 : memref<1x16x1024xf32, #tpu.memory_space<vmem>> -> memref<16x1024xf32, #tpu.memory_space<vmem>>
      %dma_start3A_580 = arith.constant 0 : i32
      %dma_start3A_581 = tpu.memref_slice %arg5[%add3A_574, %dma_start3A_580] : memref<64x16xi32, #tpu.memory_space<vmem>> -> memref<1x16xi32, #tpu.memory_space<vmem>>
      %dma_start3A_582 = tpu.memref_squeeze %dma_start3A_581 : memref<1x16xi32, #tpu.memory_space<vmem>> -> memref<16xi32, #tpu.memory_space<vmem>>
      %dma_start3A_583 = arith.constant 0 : i32
      %dma_start3A_584 = arith.constant 0 : i32
      %dma_start3A_585 = tpu.memref_slice %arg3[%dma_start3A_583, %dma_start3A_584] : memref<8192x1024xf32, #tpu.memory_space<hbm>> -> memref<8192x1024xf32, #tpu.memory_space<hbm>>
      tpu.enqueue_indirect_dma source(%dma_start3A_585 : memref<8192x1024xf32, #tpu.memory_space<hbm>>) target(%dma_start3A_579 : memref<16x1024xf32, #tpu.memory_space<vmem>>) offsets(%dma_start3A_582 : memref<16xi32, #tpu.memory_space<vmem>>) semaphore(%arg7 : memref<!tpu.dma_semaphore, #tpu.memory_space<semaphore_mem>>)
      %add3A_586 = arith.constant 1 : i32
      %add3A_587 = arith.addi %add3A_529, %add3A_586 : i32
      %dma_wait3A_588 = arith.constant 0 : i32
      %dma_wait3A_589 = arith.constant 4 : i32
      %dma_wait3A_590 = arith.constant 0 : i32
      %dma_wait3A_591 = arith.constant 0 : i32
      %dma_wait3A_592 = tpu.memref_slice %arg6[%dma_wait3A_589, %dma_wait3A_590, %dma_wait3A_591] : memref<6x16x1024xf32, #tpu.memory_space<vmem>> -> memref<1x16x1024xf32, #tpu.memory_space<vmem>>
      %dma_wait3A_593 = tpu.memref_squeeze %dma_wait3A_592 : memref<1x16x1024xf32, #tpu.memory_space<vmem>> -> memref<16x1024xf32, #tpu.memory_space<vmem>>
      %dma_wait3A_594 = arith.constant 0 : i32
      %dma_wait3A_595 = tpu.memref_slice %arg5[%dma_wait3A_588, %dma_wait3A_594] : memref<64x16xi32, #tpu.memory_space<vmem>> -> memref<1x16xi32, #tpu.memory_space<vmem>>
      %dma_wait3A_596 = tpu.memref_squeeze %dma_wait3A_595 : memref<1x16xi32, #tpu.memory_space<vmem>> -> memref<16xi32, #tpu.memory_space<vmem>>
      %dma_wait3A_597 = arith.constant 0 : i32
      %dma_wait3A_598 = arith.constant 0 : i32
      %dma_wait3A_599 = tpu.memref_slice %arg3[%dma_wait3A_597, %dma_wait3A_598] : memref<8192x1024xf32, #tpu.memory_space<hbm>> -> memref<8192x1024xf32, #tpu.memory_space<hbm>>
      tpu.wait_indirect_dma semaphore(%arg7 : memref<!tpu.dma_semaphore, #tpu.memory_space<semaphore_mem>>) src(%dma_wait3A_599 : memref<8192x1024xf32, #tpu.memory_space<hbm>>) dst(%dma_wait3A_593 : memref<16x1024xf32, #tpu.memory_space<vmem>>)
      %mul3A_600 = arith.constant 16 : i32
      %mul3A_601 = arith.muli %add3A_587, %mul3A_600 : i32
      %add3A_602 = arith.addi %mul3A_2, %mul3A_601 : i32
      %dma_start3A_603 = arith.constant 4 : i32
      %dma_start3A_604 = arith.constant 0 : i32
      %dma_start3A_605 = arith.constant 0 : i32
      %dma_start3A_606 = tpu.memref_slice %arg6[%dma_start3A_603, %dma_start3A_604, %dma_start3A_605] : memref<6x16x1024xf32, #tpu.memory_space<vmem>> -> memref<1x16x1024xf32, #tpu.memory_space<vmem>>
      %dma_start3A_607 = tpu.memref_squeeze %dma_start3A_606 : memref<1x16x1024xf32, #tpu.memory_space<vmem>> -> memref<16x1024xf32, #tpu.memory_space<vmem>>
      %dma_start3A_608 = arith.constant 0 : i32
      %dma_start3A_609 = tpu.memref_slice %arg4[%add3A_602, %dma_start3A_608] : memref<32768x1024xf32, #tpu.memory_space<hbm>> -> memref<16x1024xf32, #tpu.memory_space<hbm>>
      %dma_start3A_610 = arith.constant 0 : i32
      %dma_start3A_611 = tpu.memref_slice %arg4[%add3A_602, %dma_start3A_610] : memref<32768x1024xf32, #tpu.memory_space<hbm>> -> memref<16x1024xf32, #tpu.memory_space<hbm>>
      %dma_start3A_612 = arith.constant 0 : i32
      %dma_start3A_613 = arith.constant 0 : i32
      %dma_start3A_614 = tpu.memref_slice %arg6[%dma_start3A_603, %dma_start3A_612, %dma_start3A_613] : memref<6x16x1024xf32, #tpu.memory_space<vmem>> -> memref<1x16x1024xf32, #tpu.memory_space<vmem>>
      %dma_start3A_615 = tpu.memref_squeeze %dma_start3A_614 : memref<1x16x1024xf32, #tpu.memory_space<vmem>> -> memref<16x1024xf32, #tpu.memory_space<vmem>>
      tpu.enqueue_dma source(%dma_start3A_615 : memref<16x1024xf32, #tpu.memory_space<vmem>>) target(%dma_start3A_611 : memref<16x1024xf32, #tpu.memory_space<hbm>>) target_semaphore(%arg8 : memref<!tpu.dma_semaphore, #tpu.memory_space<semaphore_mem>>)
      %dma_wait3A_616 = arith.constant 0 : i32
      %dma_wait3A_617 = arith.constant 0 : i32
      %dma_wait3A_618 = arith.constant 0 : i32
      %dma_wait3A_619 = tpu.memref_slice %arg6[%dma_wait3A_616, %dma_wait3A_617, %dma_wait3A_618] : memref<6x16x1024xf32, #tpu.memory_space<vmem>> -> memref<1x16x1024xf32, #tpu.memory_space<vmem>>
      %dma_wait3A_620 = tpu.memref_squeeze %dma_wait3A_619 : memref<1x16x1024xf32, #tpu.memory_space<vmem>> -> memref<16x1024xf32, #tpu.memory_space<vmem>>
      %dma_wait3A_621 = arith.constant 0 : i32
      %dma_wait3A_622 = tpu.memref_slice %arg4[%mul3A_2, %dma_wait3A_621] : memref<32768x1024xf32, #tpu.memory_space<hbm>> -> memref<16x1024xf32, #tpu.memory_space<hbm>>
      %dma_wait3A_623 = arith.constant 0 : i32
      %dma_wait3A_624 = tpu.memref_slice %arg4[%mul3A_2, %dma_wait3A_623] : memref<32768x1024xf32, #tpu.memory_space<hbm>> -> memref<16x1024xf32, #tpu.memory_space<hbm>>
      %dma_wait3A_625 = arith.constant 0 : i32
      %dma_wait3A_626 = arith.constant 0 : i32
      %dma_wait3A_627 = tpu.memref_slice %arg6[%dma_wait3A_616, %dma_wait3A_625, %dma_wait3A_626] : memref<6x16x1024xf32, #tpu.memory_space<vmem>> -> memref<1x16x1024xf32, #tpu.memory_space<vmem>>
      %dma_wait3A_628 = tpu.memref_squeeze %dma_wait3A_627 : memref<1x16x1024xf32, #tpu.memory_space<vmem>> -> memref<16x1024xf32, #tpu.memory_space<vmem>>
      tpu.wait_dma2 semaphore(%arg8 : memref<!tpu.dma_semaphore, #tpu.memory_space<semaphore_mem>>) src(%dma_wait3A_628 : memref<16x1024xf32, #tpu.memory_space<vmem>>) dst(%dma_wait3A_624 : memref<16x1024xf32, #tpu.memory_space<hbm>>)
      %add3A_629 = arith.constant 3 : i32
      %add3A_630 = arith.addi %add3A_587, %add3A_629 : i32
      %dma_start3A_631 = arith.constant 1 : i32
      %dma_start3A_632 = arith.constant 0 : i32
      %dma_start3A_633 = arith.constant 0 : i32
      %dma_start3A_634 = tpu.memref_slice %arg6[%dma_start3A_631, %dma_start3A_632, %dma_start3A_633] : memref<6x16x1024xf32, #tpu.memory_space<vmem>> -> memref<1x16x1024xf32, #tpu.memory_space<vmem>>
      %dma_start3A_635 = tpu.memref_squeeze %dma_start3A_634 : memref<1x16x1024xf32, #tpu.memory_space<vmem>> -> memref<16x1024xf32, #tpu.memory_space<vmem>>
      %dma_start3A_636 = arith.constant 0 : i32
      %dma_start3A_637 = tpu.memref_slice %arg5[%add3A_630, %dma_start3A_636] : memref<64x16xi32, #tpu.memory_space<vmem>> -> memref<1x16xi32, #tpu.memory_space<vmem>>
      %dma_start3A_638 = tpu.memref_squeeze %dma_start3A_637 : memref<1x16xi32, #tpu.memory_space<vmem>> -> memref<16xi32, #tpu.memory_space<vmem>>
      %dma_start3A_639 = arith.constant 0 : i32
      %dma_start3A_640 = arith.constant 0 : i32
      %dma_start3A_641 = tpu.memref_slice %arg3[%dma_start3A_639, %dma_start3A_640] : memref<8192x1024xf32, #tpu.memory_space<hbm>> -> memref<8192x1024xf32, #tpu.memory_space<hbm>>
      tpu.enqueue_indirect_dma source(%dma_start3A_641 : memref<8192x1024xf32, #tpu.memory_space<hbm>>) target(%dma_start3A_635 : memref<16x1024xf32, #tpu.memory_space<vmem>>) offsets(%dma_start3A_638 : memref<16xi32, #tpu.memory_space<vmem>>) semaphore(%arg7 : memref<!tpu.dma_semaphore, #tpu.memory_space<semaphore_mem>>)
      %add3A_642 = arith.constant 2 : i32
      %add3A_643 = arith.addi %add3A_529, %add3A_642 : i32
      %dma_wait3A_644 = arith.constant 0 : i32
      %dma_wait3A_645 = arith.constant 5 : i32
      %dma_wait3A_646 = arith.constant 0 : i32
      %dma_wait3A_647 = arith.constant 0 : i32
      %dma_wait3A_648 = tpu.memref_slice %arg6[%dma_wait3A_645, %dma_wait3A_646, %dma_wait3A_647] : memref<6x16x1024xf32, #tpu.memory_space<vmem>> -> memref<1x16x1024xf32, #tpu.memory_space<vmem>>
      %dma_wait3A_649 = tpu.memref_squeeze %dma_wait3A_648 : memref<1x16x1024xf32, #tpu.memory_space<vmem>> -> memref<16x1024xf32, #tpu.memory_space<vmem>>
      %dma_wait3A_650 = arith.constant 0 : i32
      %dma_wait3A_651 = tpu.memref_slice %arg5[%dma_wait3A_644, %dma_wait3A_650] : memref<64x16xi32, #tpu.memory_space<vmem>> -> memref<1x16xi32, #tpu.memory_space<vmem>>
      %dma_wait3A_652 = tpu.memref_squeeze %dma_wait3A_651 : memref<1x16xi32, #tpu.memory_space<vmem>> -> memref<16xi32, #tpu.memory_space<vmem>>
      %dma_wait3A_653 = arith.constant 0 : i32
      %dma_wait3A_654 = arith.constant 0 : i32
      %dma_wait3A_655 = tpu.memref_slice %arg3[%dma_wait3A_653, %dma_wait3A_654] : memref<8192x1024xf32, #tpu.memory_space<hbm>> -> memref<8192x1024xf32, #tpu.memory_space<hbm>>
      tpu.wait_indirect_dma semaphore(%arg7 : memref<!tpu.dma_semaphore, #tpu.memory_space<semaphore_mem>>) src(%dma_wait3A_655 : memref<8192x1024xf32, #tpu.memory_space<hbm>>) dst(%dma_wait3A_649 : memref<16x1024xf32, #tpu.memory_space<vmem>>)
      %mul3A_656 = arith.constant 16 : i32
      %mul3A_657 = arith.muli %add3A_643, %mul3A_656 : i32
      %add3A_658 = arith.addi %mul3A_2, %mul3A_657 : i32
      %dma_start3A_659 = arith.constant 5 : i32
      %dma_start3A_660 = arith.constant 0 : i32
      %dma_start3A_661 = arith.constant 0 : i32
      %dma_start3A_662 = tpu.memref_slice %arg6[%dma_start3A_659, %dma_start3A_660, %dma_start3A_661] : memref<6x16x1024xf32, #tpu.memory_space<vmem>> -> memref<1x16x1024xf32, #tpu.memory_space<vmem>>
      %dma_start3A_663 = tpu.memref_squeeze %dma_start3A_662 : memref<1x16x1024xf32, #tpu.memory_space<vmem>> -> memref<16x1024xf32, #tpu.memory_space<vmem>>
      %dma_start3A_664 = arith.constant 0 : i32
      %dma_start3A_665 = tpu.memref_slice %arg4[%add3A_658, %dma_start3A_664] : memref<32768x1024xf32, #tpu.memory_space<hbm>> -> memref<16x1024xf32, #tpu.memory_space<hbm>>
      %dma_start3A_666 = arith.constant 0 : i32
      %dma_start3A_667 = tpu.memref_slice %arg4[%add3A_658, %dma_start3A_666] : memref<32768x1024xf32, #tpu.memory_space<hbm>> -> memref<16x1024xf32, #tpu.memory_space<hbm>>
      %dma_start3A_668 = arith.constant 0 : i32
      %dma_start3A_669 = arith.constant 0 : i32
      %dma_start3A_670 = tpu.memref_slice %arg6[%dma_start3A_659, %dma_start3A_668, %dma_start3A_669] : memref<6x16x1024xf32, #tpu.memory_space<vmem>> -> memref<1x16x1024xf32, #tpu.memory_space<vmem>>
      %dma_start3A_671 = tpu.memref_squeeze %dma_start3A_670 : memref<1x16x1024xf32, #tpu.memory_space<vmem>> -> memref<16x1024xf32, #tpu.memory_space<vmem>>
      tpu.enqueue_dma source(%dma_start3A_671 : memref<16x1024xf32, #tpu.memory_space<vmem>>) target(%dma_start3A_667 : memref<16x1024xf32, #tpu.memory_space<hbm>>) target_semaphore(%arg8 : memref<!tpu.dma_semaphore, #tpu.memory_space<semaphore_mem>>)
      %dma_wait3A_672 = arith.constant 0 : i32
      %dma_wait3A_673 = arith.constant 0 : i32
      %dma_wait3A_674 = arith.constant 0 : i32
      %dma_wait3A_675 = tpu.memref_slice %arg6[%dma_wait3A_672, %dma_wait3A_673, %dma_wait3A_674] : memref<6x16x1024xf32, #tpu.memory_space<vmem>> -> memref<1x16x1024xf32, #tpu.memory_space<vmem>>
      %dma_wait3A_676 = tpu.memref_squeeze %dma_wait3A_675 : memref<1x16x1024xf32, #tpu.memory_space<vmem>> -> memref<16x1024xf32, #tpu.memory_space<vmem>>
      %dma_wait3A_677 = arith.constant 0 : i32
      %dma_wait3A_678 = tpu.memref_slice %arg4[%mul3A_2, %dma_wait3A_677] : memref<32768x1024xf32, #tpu.memory_space<hbm>> -> memref<16x1024xf32, #tpu.memory_space<hbm>>
      %dma_wait3A_679 = arith.constant 0 : i32
      %dma_wait3A_680 = tpu.memref_slice %arg4[%mul3A_2, %dma_wait3A_679] : memref<32768x1024xf32, #tpu.memory_space<hbm>> -> memref<16x1024xf32, #tpu.memory_space<hbm>>
      %dma_wait3A_681 = arith.constant 0 : i32
      %dma_wait3A_682 = arith.constant 0 : i32
      %dma_wait3A_683 = tpu.memref_slice %arg6[%dma_wait3A_672, %dma_wait3A_681, %dma_wait3A_682] : memref<6x16x1024xf32, #tpu.memory_space<vmem>> -> memref<1x16x1024xf32, #tpu.memory_space<vmem>>
      %dma_wait3A_684 = tpu.memref_squeeze %dma_wait3A_683 : memref<1x16x1024xf32, #tpu.memory_space<vmem>> -> memref<16x1024xf32, #tpu.memory_space<vmem>>
      tpu.wait_dma2 semaphore(%arg8 : memref<!tpu.dma_semaphore, #tpu.memory_space<semaphore_mem>>) src(%dma_wait3A_684 : memref<16x1024xf32, #tpu.memory_space<vmem>>) dst(%dma_wait3A_680 : memref<16x1024xf32, #tpu.memory_space<hbm>>)
      %add3A_685 = arith.constant 3 : i32
      %add3A_686 = arith.addi %add3A_643, %add3A_685 : i32
      %dma_start3A_687 = arith.constant 2 : i32
      %dma_start3A_688 = arith.constant 0 : i32
      %dma_start3A_689 = arith.constant 0 : i32
      %dma_start3A_690 = tpu.memref_slice %arg6[%dma_start3A_687, %dma_start3A_688, %dma_start3A_689] : memref<6x16x1024xf32, #tpu.memory_space<vmem>> -> memref<1x16x1024xf32, #tpu.memory_space<vmem>>
      %dma_start3A_691 = tpu.memref_squeeze %dma_start3A_690 : memref<1x16x1024xf32, #tpu.memory_space<vmem>> -> memref<16x1024xf32, #tpu.memory_space<vmem>>
      %dma_start3A_692 = arith.constant 0 : i32
      %dma_start3A_693 = tpu.memref_slice %arg5[%add3A_686, %dma_start3A_692] : memref<64x16xi32, #tpu.memory_space<vmem>> -> memref<1x16xi32, #tpu.memory_space<vmem>>
      %dma_start3A_694 = tpu.memref_squeeze %dma_start3A_693 : memref<1x16xi32, #tpu.memory_space<vmem>> -> memref<16xi32, #tpu.memory_space<vmem>>
      %dma_start3A_695 = arith.constant 0 : i32
      %dma_start3A_696 = arith.constant 0 : i32
      %dma_start3A_697 = tpu.memref_slice %arg3[%dma_start3A_695, %dma_start3A_696] : memref<8192x1024xf32, #tpu.memory_space<hbm>> -> memref<8192x1024xf32, #tpu.memory_space<hbm>>
      tpu.enqueue_indirect_dma source(%dma_start3A_697 : memref<8192x1024xf32, #tpu.memory_space<hbm>>) target(%dma_start3A_691 : memref<16x1024xf32, #tpu.memory_space<vmem>>) offsets(%dma_start3A_694 : memref<16xi32, #tpu.memory_space<vmem>>) semaphore(%arg7 : memref<!tpu.dma_semaphore, #tpu.memory_space<semaphore_mem>>)
      %add3A_698 = arith.constant 3 : i32
      %add3A_699 = arith.addi %add3A_529, %add3A_698 : i32
      %dma_wait3A_700 = arith.constant 0 : i32
      %dma_wait3A_701 = arith.constant 0 : i32
      %dma_wait3A_702 = arith.constant 0 : i32
      %dma_wait3A_703 = arith.constant 0 : i32
      %dma_wait3A_704 = tpu.memref_slice %arg6[%dma_wait3A_701, %dma_wait3A_702, %dma_wait3A_703] : memref<6x16x1024xf32, #tpu.memory_space<vmem>> -> memref<1x16x1024xf32, #tpu.memory_space<vmem>>
      %dma_wait3A_705 = tpu.memref_squeeze %dma_wait3A_704 : memref<1x16x1024xf32, #tpu.memory_space<vmem>> -> memref<16x1024xf32, #tpu.memory_space<vmem>>
      %dma_wait3A_706 = arith.constant 0 : i32
      %dma_wait3A_707 = tpu.memref_slice %arg5[%dma_wait3A_700, %dma_wait3A_706] : memref<64x16xi32, #tpu.memory_space<vmem>> -> memref<1x16xi32, #tpu.memory_space<vmem>>
      %dma_wait3A_708 = tpu.memref_squeeze %dma_wait3A_707 : memref<1x16xi32, #tpu.memory_space<vmem>> -> memref<16xi32, #tpu.memory_space<vmem>>
      %dma_wait3A_709 = arith.constant 0 : i32
      %dma_wait3A_710 = arith.constant 0 : i32
      %dma_wait3A_711 = tpu.memref_slice %arg3[%dma_wait3A_709, %dma_wait3A_710] : memref<8192x1024xf32, #tpu.memory_space<hbm>> -> memref<8192x1024xf32, #tpu.memory_space<hbm>>
      tpu.wait_indirect_dma semaphore(%arg7 : memref<!tpu.dma_semaphore, #tpu.memory_space<semaphore_mem>>) src(%dma_wait3A_711 : memref<8192x1024xf32, #tpu.memory_space<hbm>>) dst(%dma_wait3A_705 : memref<16x1024xf32, #tpu.memory_space<vmem>>)
      %mul3A_712 = arith.constant 16 : i32
      %mul3A_713 = arith.muli %add3A_699, %mul3A_712 : i32
      %add3A_714 = arith.addi %mul3A_2, %mul3A_713 : i32
      %dma_start3A_715 = arith.constant 0 : i32
      %dma_start3A_716 = arith.constant 0 : i32
      %dma_start3A_717 = arith.constant 0 : i32
      %dma_start3A_718 = tpu.memref_slice %arg6[%dma_start3A_715, %dma_start3A_716, %dma_start3A_717] : memref<6x16x1024xf32, #tpu.memory_space<vmem>> -> memref<1x16x1024xf32, #tpu.memory_space<vmem>>
      %dma_start3A_719 = tpu.memref_squeeze %dma_start3A_718 : memref<1x16x1024xf32, #tpu.memory_space<vmem>> -> memref<16x1024xf32, #tpu.memory_space<vmem>>
      %dma_start3A_720 = arith.constant 0 : i32
      %dma_start3A_721 = tpu.memref_slice %arg4[%add3A_714, %dma_start3A_720] : memref<32768x1024xf32, #tpu.memory_space<hbm>> -> memref<16x1024xf32, #tpu.memory_space<hbm>>
      %dma_start3A_722 = arith.constant 0 : i32
      %dma_start3A_723 = tpu.memref_slice %arg4[%add3A_714, %dma_start3A_722] : memref<32768x1024xf32, #tpu.memory_space<hbm>> -> memref<16x1024xf32, #tpu.memory_space<hbm>>
      %dma_start3A_724 = arith.constant 0 : i32
      %dma_start3A_725 = arith.constant 0 : i32
      %dma_start3A_726 = tpu.memref_slice %arg6[%dma_start3A_715, %dma_start3A_724, %dma_start3A_725] : memref<6x16x1024xf32, #tpu.memory_space<vmem>> -> memref<1x16x1024xf32, #tpu.memory_space<vmem>>
      %dma_start3A_727 = tpu.memref_squeeze %dma_start3A_726 : memref<1x16x1024xf32, #tpu.memory_space<vmem>> -> memref<16x1024xf32, #tpu.memory_space<vmem>>
      tpu.enqueue_dma source(%dma_start3A_727 : memref<16x1024xf32, #tpu.memory_space<vmem>>) target(%dma_start3A_723 : memref<16x1024xf32, #tpu.memory_space<hbm>>) target_semaphore(%arg8 : memref<!tpu.dma_semaphore, #tpu.memory_space<semaphore_mem>>)
      %dma_wait3A_728 = arith.constant 0 : i32
      %dma_wait3A_729 = arith.constant 0 : i32
      %dma_wait3A_730 = arith.constant 0 : i32
      %dma_wait3A_731 = tpu.memref_slice %arg6[%dma_wait3A_728, %dma_wait3A_729, %dma_wait3A_730] : memref<6x16x1024xf32, #tpu.memory_space<vmem>> -> memref<1x16x1024xf32, #tpu.memory_space<vmem>>
      %dma_wait3A_732 = tpu.memref_squeeze %dma_wait3A_731 : memref<1x16x1024xf32, #tpu.memory_space<vmem>> -> memref<16x1024xf32, #tpu.memory_space<vmem>>
      %dma_wait3A_733 = arith.constant 0 : i32
      %dma_wait3A_734 = tpu.memref_slice %arg4[%mul3A_2, %dma_wait3A_733] : memref<32768x1024xf32, #tpu.memory_space<hbm>> -> memref<16x1024xf32, #tpu.memory_space<hbm>>
      %dma_wait3A_735 = arith.constant 0 : i32
      %dma_wait3A_736 = tpu.memref_slice %arg4[%mul3A_2, %dma_wait3A_735] : memref<32768x1024xf32, #tpu.memory_space<hbm>> -> memref<16x1024xf32, #tpu.memory_space<hbm>>
      %dma_wait3A_737 = arith.constant 0 : i32
      %dma_wait3A_738 = arith.constant 0 : i32
      %dma_wait3A_739 = tpu.memref_slice %arg6[%dma_wait3A_728, %dma_wait3A_737, %dma_wait3A_738] : memref<6x16x1024xf32, #tpu.memory_space<vmem>> -> memref<1x16x1024xf32, #tpu.memory_space<vmem>>
      %dma_wait3A_740 = tpu.memref_squeeze %dma_wait3A_739 : memref<1x16x1024xf32, #tpu.memory_space<vmem>> -> memref<16x1024xf32, #tpu.memory_space<vmem>>
      tpu.wait_dma2 semaphore(%arg8 : memref<!tpu.dma_semaphore, #tpu.memory_space<semaphore_mem>>) src(%dma_wait3A_740 : memref<16x1024xf32, #tpu.memory_space<vmem>>) dst(%dma_wait3A_736 : memref<16x1024xf32, #tpu.memory_space<hbm>>)
      %add3A_741 = arith.constant 3 : i32
      %add3A_742 = arith.addi %add3A_699, %add3A_741 : i32
      %dma_start3A_743 = arith.constant 3 : i32
      %dma_start3A_744 = arith.constant 0 : i32
      %dma_start3A_745 = arith.constant 0 : i32
      %dma_start3A_746 = tpu.memref_slice %arg6[%dma_start3A_743, %dma_start3A_744, %dma_start3A_745] : memref<6x16x1024xf32, #tpu.memory_space<vmem>> -> memref<1x16x1024xf32, #tpu.memory_space<vmem>>
      %dma_start3A_747 = tpu.memref_squeeze %dma_start3A_746 : memref<1x16x1024xf32, #tpu.memory_space<vmem>> -> memref<16x1024xf32, #tpu.memory_space<vmem>>
      %dma_start3A_748 = arith.constant 0 : i32
      %dma_start3A_749 = tpu.memref_slice %arg5[%add3A_742, %dma_start3A_748] : memref<64x16xi32, #tpu.memory_space<vmem>> -> memref<1x16xi32, #tpu.memory_space<vmem>>
      %dma_start3A_750 = tpu.memref_squeeze %dma_start3A_749 : memref<1x16xi32, #tpu.memory_space<vmem>> -> memref<16xi32, #tpu.memory_space<vmem>>
      %dma_start3A_751 = arith.constant 0 : i32
      %dma_start3A_752 = arith.constant 0 : i32
      %dma_start3A_753 = tpu.memref_slice %arg3[%dma_start3A_751, %dma_start3A_752] : memref<8192x1024xf32, #tpu.memory_space<hbm>> -> memref<8192x1024xf32, #tpu.memory_space<hbm>>
      tpu.enqueue_indirect_dma source(%dma_start3A_753 : memref<8192x1024xf32, #tpu.memory_space<hbm>>) target(%dma_start3A_747 : memref<16x1024xf32, #tpu.memory_space<vmem>>) offsets(%dma_start3A_750 : memref<16xi32, #tpu.memory_space<vmem>>) semaphore(%arg7 : memref<!tpu.dma_semaphore, #tpu.memory_space<semaphore_mem>>)
      %add3A_754 = arith.constant 4 : i32
      %add3A_755 = arith.addi %add3A_529, %add3A_754 : i32
      %dma_wait3A_756 = arith.constant 0 : i32
      %dma_wait3A_757 = arith.constant 1 : i32
      %dma_wait3A_758 = arith.constant 0 : i32
      %dma_wait3A_759 = arith.constant 0 : i32
      %dma_wait3A_760 = tpu.memref_slice %arg6[%dma_wait3A_757, %dma_wait3A_758, %dma_wait3A_759] : memref<6x16x1024xf32, #tpu.memory_space<vmem>> -> memref<1x16x1024xf32, #tpu.memory_space<vmem>>
      %dma_wait3A_761 = tpu.memref_squeeze %dma_wait3A_760 : memref<1x16x1024xf32, #tpu.memory_space<vmem>> -> memref<16x1024xf32, #tpu.memory_space<vmem>>
      %dma_wait3A_762 = arith.constant 0 : i32
      %dma_wait3A_763 = tpu.memref_slice %arg5[%dma_wait3A_756, %dma_wait3A_762] : memref<64x16xi32, #tpu.memory_space<vmem>> -> memref<1x16xi32, #tpu.memory_space<vmem>>
      %dma_wait3A_764 = tpu.memref_squeeze %dma_wait3A_763 : memref<1x16xi32, #tpu.memory_space<vmem>> -> memref<16xi32, #tpu.memory_space<vmem>>
      %dma_wait3A_765 = arith.constant 0 : i32
      %dma_wait3A_766 = arith.constant 0 : i32
      %dma_wait3A_767 = tpu.memref_slice %arg3[%dma_wait3A_765, %dma_wait3A_766] : memref<8192x1024xf32, #tpu.memory_space<hbm>> -> memref<8192x1024xf32, #tpu.memory_space<hbm>>
      tpu.wait_indirect_dma semaphore(%arg7 : memref<!tpu.dma_semaphore, #tpu.memory_space<semaphore_mem>>) src(%dma_wait3A_767 : memref<8192x1024xf32, #tpu.memory_space<hbm>>) dst(%dma_wait3A_761 : memref<16x1024xf32, #tpu.memory_space<vmem>>)
      %mul3A_768 = arith.constant 16 : i32
      %mul3A_769 = arith.muli %add3A_755, %mul3A_768 : i32
      %add3A_770 = arith.addi %mul3A_2, %mul3A_769 : i32
      %dma_start3A_771 = arith.constant 1 : i32
      %dma_start3A_772 = arith.constant 0 : i32
      %dma_start3A_773 = arith.constant 0 : i32
      %dma_start3A_774 = tpu.memref_slice %arg6[%dma_start3A_771, %dma_start3A_772, %dma_start3A_773] : memref<6x16x1024xf32, #tpu.memory_space<vmem>> -> memref<1x16x1024xf32, #tpu.memory_space<vmem>>
      %dma_start3A_775 = tpu.memref_squeeze %dma_start3A_774 : memref<1x16x1024xf32, #tpu.memory_space<vmem>> -> memref<16x1024xf32, #tpu.memory_space<vmem>>
      %dma_start3A_776 = arith.constant 0 : i32
      %dma_start3A_777 = tpu.memref_slice %arg4[%add3A_770, %dma_start3A_776] : memref<32768x1024xf32, #tpu.memory_space<hbm>> -> memref<16x1024xf32, #tpu.memory_space<hbm>>
      %dma_start3A_778 = arith.constant 0 : i32
      %dma_start3A_779 = tpu.memref_slice %arg4[%add3A_770, %dma_start3A_778] : memref<32768x1024xf32, #tpu.memory_space<hbm>> -> memref<16x1024xf32, #tpu.memory_space<hbm>>
      %dma_start3A_780 = arith.constant 0 : i32
      %dma_start3A_781 = arith.constant 0 : i32
      %dma_start3A_782 = tpu.memref_slice %arg6[%dma_start3A_771, %dma_start3A_780, %dma_start3A_781] : memref<6x16x1024xf32, #tpu.memory_space<vmem>> -> memref<1x16x1024xf32, #tpu.memory_space<vmem>>
      %dma_start3A_783 = tpu.memref_squeeze %dma_start3A_782 : memref<1x16x1024xf32, #tpu.memory_space<vmem>> -> memref<16x1024xf32, #tpu.memory_space<vmem>>
      tpu.enqueue_dma source(%dma_start3A_783 : memref<16x1024xf32, #tpu.memory_space<vmem>>) target(%dma_start3A_779 : memref<16x1024xf32, #tpu.memory_space<hbm>>) target_semaphore(%arg8 : memref<!tpu.dma_semaphore, #tpu.memory_space<semaphore_mem>>)
      %dma_wait3A_784 = arith.constant 0 : i32
      %dma_wait3A_785 = arith.constant 0 : i32
      %dma_wait3A_786 = arith.constant 0 : i32
      %dma_wait3A_787 = tpu.memref_slice %arg6[%dma_wait3A_784, %dma_wait3A_785, %dma_wait3A_786] : memref<6x16x1024xf32, #tpu.memory_space<vmem>> -> memref<1x16x1024xf32, #tpu.memory_space<vmem>>
      %dma_wait3A_788 = tpu.memref_squeeze %dma_wait3A_787 : memref<1x16x1024xf32, #tpu.memory_space<vmem>> -> memref<16x1024xf32, #tpu.memory_space<vmem>>
      %dma_wait3A_789 = arith.constant 0 : i32
      %dma_wait3A_790 = tpu.memref_slice %arg4[%mul3A_2, %dma_wait3A_789] : memref<32768x1024xf32, #tpu.memory_space<hbm>> -> memref<16x1024xf32, #tpu.memory_space<hbm>>
      %dma_wait3A_791 = arith.constant 0 : i32
      %dma_wait3A_792 = tpu.memref_slice %arg4[%mul3A_2, %dma_wait3A_791] : memref<32768x1024xf32, #tpu.memory_space<hbm>> -> memref<16x1024xf32, #tpu.memory_space<hbm>>
      %dma_wait3A_793 = arith.constant 0 : i32
      %dma_wait3A_794 = arith.constant 0 : i32
      %dma_wait3A_795 = tpu.memref_slice %arg6[%dma_wait3A_784, %dma_wait3A_793, %dma_wait3A_794] : memref<6x16x1024xf32, #tpu.memory_space<vmem>> -> memref<1x16x1024xf32, #tpu.memory_space<vmem>>
      %dma_wait3A_796 = tpu.memref_squeeze %dma_wait3A_795 : memref<1x16x1024xf32, #tpu.memory_space<vmem>> -> memref<16x1024xf32, #tpu.memory_space<vmem>>
      tpu.wait_dma2 semaphore(%arg8 : memref<!tpu.dma_semaphore, #tpu.memory_space<semaphore_mem>>) src(%dma_wait3A_796 : memref<16x1024xf32, #tpu.memory_space<vmem>>) dst(%dma_wait3A_792 : memref<16x1024xf32, #tpu.memory_space<hbm>>)
      %add3A_797 = arith.constant 3 : i32
      %add3A_798 = arith.addi %add3A_755, %add3A_797 : i32
      %dma_start3A_799 = arith.constant 4 : i32
      %dma_start3A_800 = arith.constant 0 : i32
      %dma_start3A_801 = arith.constant 0 : i32
      %dma_start3A_802 = tpu.memref_slice %arg6[%dma_start3A_799, %dma_start3A_800, %dma_start3A_801] : memref<6x16x1024xf32, #tpu.memory_space<vmem>> -> memref<1x16x1024xf32, #tpu.memory_space<vmem>>
      %dma_start3A_803 = tpu.memref_squeeze %dma_start3A_802 : memref<1x16x1024xf32, #tpu.memory_space<vmem>> -> memref<16x1024xf32, #tpu.memory_space<vmem>>
      %dma_start3A_804 = arith.constant 0 : i32
      %dma_start3A_805 = tpu.memref_slice %arg5[%add3A_798, %dma_start3A_804] : memref<64x16xi32, #tpu.memory_space<vmem>> -> memref<1x16xi32, #tpu.memory_space<vmem>>
      %dma_start3A_806 = tpu.memref_squeeze %dma_start3A_805 : memref<1x16xi32, #tpu.memory_space<vmem>> -> memref<16xi32, #tpu.memory_space<vmem>>
      %dma_start3A_807 = arith.constant 0 : i32
      %dma_start3A_808 = arith.constant 0 : i32
      %dma_start3A_809 = tpu.memref_slice %arg3[%dma_start3A_807, %dma_start3A_808] : memref<8192x1024xf32, #tpu.memory_space<hbm>> -> memref<8192x1024xf32, #tpu.memory_space<hbm>>
      tpu.enqueue_indirect_dma source(%dma_start3A_809 : memref<8192x1024xf32, #tpu.memory_space<hbm>>) target(%dma_start3A_803 : memref<16x1024xf32, #tpu.memory_space<vmem>>) offsets(%dma_start3A_806 : memref<16xi32, #tpu.memory_space<vmem>>) semaphore(%arg7 : memref<!tpu.dma_semaphore, #tpu.memory_space<semaphore_mem>>)
      %add3A_810 = arith.constant 5 : i32
      %add3A_811 = arith.addi %add3A_529, %add3A_810 : i32
      %dma_wait3A_812 = arith.constant 0 : i32
      %dma_wait3A_813 = arith.constant 2 : i32
      %dma_wait3A_814 = arith.constant 0 : i32
      %dma_wait3A_815 = arith.constant 0 : i32
      %dma_wait3A_816 = tpu.memref_slice %arg6[%dma_wait3A_813, %dma_wait3A_814, %dma_wait3A_815] : memref<6x16x1024xf32, #tpu.memory_space<vmem>> -> memref<1x16x1024xf32, #tpu.memory_space<vmem>>
      %dma_wait3A_817 = tpu.memref_squeeze %dma_wait3A_816 : memref<1x16x1024xf32, #tpu.memory_space<vmem>> -> memref<16x1024xf32, #tpu.memory_space<vmem>>
      %dma_wait3A_818 = arith.constant 0 : i32
      %dma_wait3A_819 = tpu.memref_slice %arg5[%dma_wait3A_812, %dma_wait3A_818] : memref<64x16xi32, #tpu.memory_space<vmem>> -> memref<1x16xi32, #tpu.memory_space<vmem>>
      %dma_wait3A_820 = tpu.memref_squeeze %dma_wait3A_819 : memref<1x16xi32, #tpu.memory_space<vmem>> -> memref<16xi32, #tpu.memory_space<vmem>>
      %dma_wait3A_821 = arith.constant 0 : i32
      %dma_wait3A_822 = arith.constant 0 : i32
      %dma_wait3A_823 = tpu.memref_slice %arg3[%dma_wait3A_821, %dma_wait3A_822] : memref<8192x1024xf32, #tpu.memory_space<hbm>> -> memref<8192x1024xf32, #tpu.memory_space<hbm>>
      tpu.wait_indirect_dma semaphore(%arg7 : memref<!tpu.dma_semaphore, #tpu.memory_space<semaphore_mem>>) src(%dma_wait3A_823 : memref<8192x1024xf32, #tpu.memory_space<hbm>>) dst(%dma_wait3A_817 : memref<16x1024xf32, #tpu.memory_space<vmem>>)
      %mul3A_824 = arith.constant 16 : i32
      %mul3A_825 = arith.muli %add3A_811, %mul3A_824 : i32
      %add3A_826 = arith.addi %mul3A_2, %mul3A_825 : i32
      %dma_start3A_827 = arith.constant 2 : i32
      %dma_start3A_828 = arith.constant 0 : i32
      %dma_start3A_829 = arith.constant 0 : i32
      %dma_start3A_830 = tpu.memref_slice %arg6[%dma_start3A_827, %dma_start3A_828, %dma_start3A_829] : memref<6x16x1024xf32, #tpu.memory_space<vmem>> -> memref<1x16x1024xf32, #tpu.memory_space<vmem>>
      %dma_start3A_831 = tpu.memref_squeeze %dma_start3A_830 : memref<1x16x1024xf32, #tpu.memory_space<vmem>> -> memref<16x1024xf32, #tpu.memory_space<vmem>>
      %dma_start3A_832 = arith.constant 0 : i32
      %dma_start3A_833 = tpu.memref_slice %arg4[%add3A_826, %dma_start3A_832] : memref<32768x1024xf32, #tpu.memory_space<hbm>> -> memref<16x1024xf32, #tpu.memory_space<hbm>>
      %dma_start3A_834 = arith.constant 0 : i32
      %dma_start3A_835 = tpu.memref_slice %arg4[%add3A_826, %dma_start3A_834] : memref<32768x1024xf32, #tpu.memory_space<hbm>> -> memref<16x1024xf32, #tpu.memory_space<hbm>>
      %dma_start3A_836 = arith.constant 0 : i32
      %dma_start3A_837 = arith.constant 0 : i32
      %dma_start3A_838 = tpu.memref_slice %arg6[%dma_start3A_827, %dma_start3A_836, %dma_start3A_837] : memref<6x16x1024xf32, #tpu.memory_space<vmem>> -> memref<1x16x1024xf32, #tpu.memory_space<vmem>>
      %dma_start3A_839 = tpu.memref_squeeze %dma_start3A_838 : memref<1x16x1024xf32, #tpu.memory_space<vmem>> -> memref<16x1024xf32, #tpu.memory_space<vmem>>
      tpu.enqueue_dma source(%dma_start3A_839 : memref<16x1024xf32, #tpu.memory_space<vmem>>) target(%dma_start3A_835 : memref<16x1024xf32, #tpu.memory_space<hbm>>) target_semaphore(%arg8 : memref<!tpu.dma_semaphore, #tpu.memory_space<semaphore_mem>>)
      %dma_wait3A_840 = arith.constant 0 : i32
      %dma_wait3A_841 = arith.constant 0 : i32
      %dma_wait3A_842 = arith.constant 0 : i32
      %dma_wait3A_843 = tpu.memref_slice %arg6[%dma_wait3A_840, %dma_wait3A_841, %dma_wait3A_842] : memref<6x16x1024xf32, #tpu.memory_space<vmem>> -> memref<1x16x1024xf32, #tpu.memory_space<vmem>>
      %dma_wait3A_844 = tpu.memref_squeeze %dma_wait3A_843 : memref<1x16x1024xf32, #tpu.memory_space<vmem>> -> memref<16x1024xf32, #tpu.memory_space<vmem>>
      %dma_wait3A_845 = arith.constant 0 : i32
      %dma_wait3A_846 = tpu.memref_slice %arg4[%mul3A_2, %dma_wait3A_845] : memref<32768x1024xf32, #tpu.memory_space<hbm>> -> memref<16x1024xf32, #tpu.memory_space<hbm>>
      %dma_wait3A_847 = arith.constant 0 : i32
      %dma_wait3A_848 = tpu.memref_slice %arg4[%mul3A_2, %dma_wait3A_847] : memref<32768x1024xf32, #tpu.memory_space<hbm>> -> memref<16x1024xf32, #tpu.memory_space<hbm>>
      %dma_wait3A_849 = arith.constant 0 : i32
      %dma_wait3A_850 = arith.constant 0 : i32
      %dma_wait3A_851 = tpu.memref_slice %arg6[%dma_wait3A_840, %dma_wait3A_849, %dma_wait3A_850] : memref<6x16x1024xf32, #tpu.memory_space<vmem>> -> memref<1x16x1024xf32, #tpu.memory_space<vmem>>
      %dma_wait3A_852 = tpu.memref_squeeze %dma_wait3A_851 : memref<1x16x1024xf32, #tpu.memory_space<vmem>> -> memref<16x1024xf32, #tpu.memory_space<vmem>>
      tpu.wait_dma2 semaphore(%arg8 : memref<!tpu.dma_semaphore, #tpu.memory_space<semaphore_mem>>) src(%dma_wait3A_852 : memref<16x1024xf32, #tpu.memory_space<vmem>>) dst(%dma_wait3A_848 : memref<16x1024xf32, #tpu.memory_space<hbm>>)
      %add3A_853 = arith.constant 3 : i32
      %add3A_854 = arith.addi %add3A_811, %add3A_853 : i32
      %dma_start3A_855 = arith.constant 5 : i32
      %dma_start3A_856 = arith.constant 0 : i32
      %dma_start3A_857 = arith.constant 0 : i32
      %dma_start3A_858 = tpu.memref_slice %arg6[%dma_start3A_855, %dma_start3A_856, %dma_start3A_857] : memref<6x16x1024xf32, #tpu.memory_space<vmem>> -> memref<1x16x1024xf32, #tpu.memory_space<vmem>>
      %dma_start3A_859 = tpu.memref_squeeze %dma_start3A_858 : memref<1x16x1024xf32, #tpu.memory_space<vmem>> -> memref<16x1024xf32, #tpu.memory_space<vmem>>
      %dma_start3A_860 = arith.constant 0 : i32
      %dma_start3A_861 = tpu.memref_slice %arg5[%add3A_854, %dma_start3A_860] : memref<64x16xi32, #tpu.memory_space<vmem>> -> memref<1x16xi32, #tpu.memory_space<vmem>>
      %dma_start3A_862 = tpu.memref_squeeze %dma_start3A_861 : memref<1x16xi32, #tpu.memory_space<vmem>> -> memref<16xi32, #tpu.memory_space<vmem>>
      %dma_start3A_863 = arith.constant 0 : i32
      %dma_start3A_864 = arith.constant 0 : i32
      %dma_start3A_865 = tpu.memref_slice %arg3[%dma_start3A_863, %dma_start3A_864] : memref<8192x1024xf32, #tpu.memory_space<hbm>> -> memref<8192x1024xf32, #tpu.memory_space<hbm>>
      tpu.enqueue_indirect_dma source(%dma_start3A_865 : memref<8192x1024xf32, #tpu.memory_space<hbm>>) target(%dma_start3A_859 : memref<16x1024xf32, #tpu.memory_space<vmem>>) offsets(%dma_start3A_862 : memref<16xi32, #tpu.memory_space<vmem>>) semaphore(%arg7 : memref<!tpu.dma_semaphore, #tpu.memory_space<semaphore_mem>>)
    }
    %scan3A_157 = arith.constant 9 : i32
    %dma_wait3A_158 = arith.constant 0 : i32
    %dma_wait3A_159 = arith.constant 3 : i32
    %dma_wait3A_160 = arith.constant 0 : i32
    %dma_wait3A_161 = arith.constant 0 : i32
    %dma_wait3A_162 = tpu.memref_slice %arg6[%dma_wait3A_159, %dma_wait3A_160, %dma_wait3A_161] : memref<6x16x1024xf32, #tpu.memory_space<vmem>> -> memref<1x16x1024xf32, #tpu.memory_space<vmem>>
    %dma_wait3A_163 = tpu.memref_squeeze %dma_wait3A_162 : memref<1x16x1024xf32, #tpu.memory_space<vmem>> -> memref<16x1024xf32, #tpu.memory_space<vmem>>
    %dma_wait3A_164 = arith.constant 0 : i32
    %dma_wait3A_165 = tpu.memref_slice %arg5[%dma_wait3A_158, %dma_wait3A_164] : memref<64x16xi32, #tpu.memory_space<vmem>> -> memref<1x16xi32, #tpu.memory_space<vmem>>
    %dma_wait3A_166 = tpu.memref_squeeze %dma_wait3A_165 : memref<1x16xi32, #tpu.memory_space<vmem>> -> memref<16xi32, #tpu.memory_space<vmem>>
    %dma_wait3A_167 = arith.constant 0 : i32
    %dma_wait3A_168 = arith.constant 0 : i32
    %dma_wait3A_169 = tpu.memref_slice %arg3[%dma_wait3A_167, %dma_wait3A_168] : memref<8192x1024xf32, #tpu.memory_space<hbm>> -> memref<8192x1024xf32, #tpu.memory_space<hbm>>
    tpu.wait_indirect_dma semaphore(%arg7 : memref<!tpu.dma_semaphore, #tpu.memory_space<semaphore_mem>>) src(%dma_wait3A_169 : memref<8192x1024xf32, #tpu.memory_space<hbm>>) dst(%dma_wait3A_163 : memref<16x1024xf32, #tpu.memory_space<vmem>>)
    %add3A_170 = arith.constant 912 : i32
    %add3A_171 = arith.addi %mul3A_2, %add3A_170 : i32
    %dma_start3A_172 = arith.constant 3 : i32
    %dma_start3A_173 = arith.constant 0 : i32
    %dma_start3A_174 = arith.constant 0 : i32
    %dma_start3A_175 = tpu.memref_slice %arg6[%dma_start3A_172, %dma_start3A_173, %dma_start3A_174] : memref<6x16x1024xf32, #tpu.memory_space<vmem>> -> memref<1x16x1024xf32, #tpu.memory_space<vmem>>
    %dma_start3A_176 = tpu.memref_squeeze %dma_start3A_175 : memref<1x16x1024xf32, #tpu.memory_space<vmem>> -> memref<16x1024xf32, #tpu.memory_space<vmem>>
    %dma_start3A_177 = arith.constant 0 : i32
    %dma_start3A_178 = tpu.memref_slice %arg4[%add3A_171, %dma_start3A_177] : memref<32768x1024xf32, #tpu.memory_space<hbm>> -> memref<16x1024xf32, #tpu.memory_space<hbm>>
    %dma_start3A_179 = arith.constant 0 : i32
    %dma_start3A_180 = tpu.memref_slice %arg4[%add3A_171, %dma_start3A_179] : memref<32768x1024xf32, #tpu.memory_space<hbm>> -> memref<16x1024xf32, #tpu.memory_space<hbm>>
    %dma_start3A_181 = arith.constant 0 : i32
    %dma_start3A_182 = arith.constant 0 : i32
    %dma_start3A_183 = tpu.memref_slice %arg6[%dma_start3A_172, %dma_start3A_181, %dma_start3A_182] : memref<6x16x1024xf32, #tpu.memory_space<vmem>> -> memref<1x16x1024xf32, #tpu.memory_space<vmem>>
    %dma_start3A_184 = tpu.memref_squeeze %dma_start3A_183 : memref<1x16x1024xf32, #tpu.memory_space<vmem>> -> memref<16x1024xf32, #tpu.memory_space<vmem>>
    tpu.enqueue_dma source(%dma_start3A_184 : memref<16x1024xf32, #tpu.memory_space<vmem>>) target(%dma_start3A_180 : memref<16x1024xf32, #tpu.memory_space<hbm>>) target_semaphore(%arg8 : memref<!tpu.dma_semaphore, #tpu.memory_space<semaphore_mem>>)
    %dma_wait3A_185 = arith.constant 0 : i32
    %dma_wait3A_186 = arith.constant 0 : i32
    %dma_wait3A_187 = arith.constant 0 : i32
    %dma_wait3A_188 = tpu.memref_slice %arg6[%dma_wait3A_185, %dma_wait3A_186, %dma_wait3A_187] : memref<6x16x1024xf32, #tpu.memory_space<vmem>> -> memref<1x16x1024xf32, #tpu.memory_space<vmem>>
    %dma_wait3A_189 = tpu.memref_squeeze %dma_wait3A_188 : memref<1x16x1024xf32, #tpu.memory_space<vmem>> -> memref<16x1024xf32, #tpu.memory_space<vmem>>
    %dma_wait3A_190 = arith.constant 0 : i32
    %dma_wait3A_191 = tpu.memref_slice %arg4[%mul3A_2, %dma_wait3A_190] : memref<32768x1024xf32, #tpu.memory_space<hbm>> -> memref<16x1024xf32, #tpu.memory_space<hbm>>
    %dma_wait3A_192 = arith.constant 0 : i32
    %dma_wait3A_193 = tpu.memref_slice %arg4[%mul3A_2, %dma_wait3A_192] : memref<32768x1024xf32, #tpu.memory_space<hbm>> -> memref<16x1024xf32, #tpu.memory_space<hbm>>
    %dma_wait3A_194 = arith.constant 0 : i32
    %dma_wait3A_195 = arith.constant 0 : i32
    %dma_wait3A_196 = tpu.memref_slice %arg6[%dma_wait3A_185, %dma_wait3A_194, %dma_wait3A_195] : memref<6x16x1024xf32, #tpu.memory_space<vmem>> -> memref<1x16x1024xf32, #tpu.memory_space<vmem>>
    %dma_wait3A_197 = tpu.memref_squeeze %dma_wait3A_196 : memref<1x16x1024xf32, #tpu.memory_space<vmem>> -> memref<16x1024xf32, #tpu.memory_space<vmem>>
    tpu.wait_dma2 semaphore(%arg8 : memref<!tpu.dma_semaphore, #tpu.memory_space<semaphore_mem>>) src(%dma_wait3A_197 : memref<16x1024xf32, #tpu.memory_space<vmem>>) dst(%dma_wait3A_193 : memref<16x1024xf32, #tpu.memory_space<hbm>>)
    %dma_start3A_198 = arith.constant 60 : i32
    %dma_start3A_199 = arith.constant 0 : i32
    %dma_start3A_200 = arith.constant 0 : i32
    %dma_start3A_201 = arith.constant 0 : i32
    %dma_start3A_202 = tpu.memref_slice %arg6[%dma_start3A_199, %dma_start3A_200, %dma_start3A_201] : memref<6x16x1024xf32, #tpu.memory_space<vmem>> -> memref<1x16x1024xf32, #tpu.memory_space<vmem>>
    %dma_start3A_203 = tpu.memref_squeeze %dma_start3A_202 : memref<1x16x1024xf32, #tpu.memory_space<vmem>> -> memref<16x1024xf32, #tpu.memory_space<vmem>>
    %dma_start3A_204 = arith.constant 0 : i32
    %dma_start3A_205 = tpu.memref_slice %arg5[%dma_start3A_198, %dma_start3A_204] : memref<64x16xi32, #tpu.memory_space<vmem>> -> memref<1x16xi32, #tpu.memory_space<vmem>>
    %dma_start3A_206 = tpu.memref_squeeze %dma_start3A_205 : memref<1x16xi32, #tpu.memory_space<vmem>> -> memref<16xi32, #tpu.memory_space<vmem>>
    %dma_start3A_207 = arith.constant 0 : i32
    %dma_start3A_208 = arith.constant 0 : i32
    %dma_start3A_209 = tpu.memref_slice %arg3[%dma_start3A_207, %dma_start3A_208] : memref<8192x1024xf32, #tpu.memory_space<hbm>> -> memref<8192x1024xf32, #tpu.memory_space<hbm>>
    tpu.enqueue_indirect_dma source(%dma_start3A_209 : memref<8192x1024xf32, #tpu.memory_space<hbm>>) target(%dma_start3A_203 : memref<16x1024xf32, #tpu.memory_space<vmem>>) offsets(%dma_start3A_206 : memref<16xi32, #tpu.memory_space<vmem>>) semaphore(%arg7 : memref<!tpu.dma_semaphore, #tpu.memory_space<semaphore_mem>>)
    %dma_wait3A_210 = arith.constant 0 : i32
    %dma_wait3A_211 = arith.constant 4 : i32
    %dma_wait3A_212 = arith.constant 0 : i32
    %dma_wait3A_213 = arith.constant 0 : i32
    %dma_wait3A_214 = tpu.memref_slice %arg6[%dma_wait3A_211, %dma_wait3A_212, %dma_wait3A_213] : memref<6x16x1024xf32, #tpu.memory_space<vmem>> -> memref<1x16x1024xf32, #tpu.memory_space<vmem>>
    %dma_wait3A_215 = tpu.memref_squeeze %dma_wait3A_214 : memref<1x16x1024xf32, #tpu.memory_space<vmem>> -> memref<16x1024xf32, #tpu.memory_space<vmem>>
    %dma_wait3A_216 = arith.constant 0 : i32
    %dma_wait3A_217 = tpu.memref_slice %arg5[%dma_wait3A_210, %dma_wait3A_216] : memref<64x16xi32, #tpu.memory_space<vmem>> -> memref<1x16xi32, #tpu.memory_space<vmem>>
    %dma_wait3A_218 = tpu.memref_squeeze %dma_wait3A_217 : memref<1x16xi32, #tpu.memory_space<vmem>> -> memref<16xi32, #tpu.memory_space<vmem>>
    %dma_wait3A_219 = arith.constant 0 : i32
    %dma_wait3A_220 = arith.constant 0 : i32
    %dma_wait3A_221 = tpu.memref_slice %arg3[%dma_wait3A_219, %dma_wait3A_220] : memref<8192x1024xf32, #tpu.memory_space<hbm>> -> memref<8192x1024xf32, #tpu.memory_space<hbm>>
    tpu.wait_indirect_dma semaphore(%arg7 : memref<!tpu.dma_semaphore, #tpu.memory_space<semaphore_mem>>) src(%dma_wait3A_221 : memref<8192x1024xf32, #tpu.memory_space<hbm>>) dst(%dma_wait3A_215 : memref<16x1024xf32, #tpu.memory_space<vmem>>)
    %add3A_222 = arith.constant 928 : i32
    %add3A_223 = arith.addi %mul3A_2, %add3A_222 : i32
    %dma_start3A_224 = arith.constant 4 : i32
    %dma_start3A_225 = arith.constant 0 : i32
    %dma_start3A_226 = arith.constant 0 : i32
    %dma_start3A_227 = tpu.memref_slice %arg6[%dma_start3A_224, %dma_start3A_225, %dma_start3A_226] : memref<6x16x1024xf32, #tpu.memory_space<vmem>> -> memref<1x16x1024xf32, #tpu.memory_space<vmem>>
    %dma_start3A_228 = tpu.memref_squeeze %dma_start3A_227 : memref<1x16x1024xf32, #tpu.memory_space<vmem>> -> memref<16x1024xf32, #tpu.memory_space<vmem>>
    %dma_start3A_229 = arith.constant 0 : i32
    %dma_start3A_230 = tpu.memref_slice %arg4[%add3A_223, %dma_start3A_229] : memref<32768x1024xf32, #tpu.memory_space<hbm>> -> memref<16x1024xf32, #tpu.memory_space<hbm>>
    %dma_start3A_231 = arith.constant 0 : i32
    %dma_start3A_232 = tpu.memref_slice %arg4[%add3A_223, %dma_start3A_231] : memref<32768x1024xf32, #tpu.memory_space<hbm>> -> memref<16x1024xf32, #tpu.memory_space<hbm>>
    %dma_start3A_233 = arith.constant 0 : i32
    %dma_start3A_234 = arith.constant 0 : i32
    %dma_start3A_235 = tpu.memref_slice %arg6[%dma_start3A_224, %dma_start3A_233, %dma_start3A_234] : memref<6x16x1024xf32, #tpu.memory_space<vmem>> -> memref<1x16x1024xf32, #tpu.memory_space<vmem>>
    %dma_start3A_236 = tpu.memref_squeeze %dma_start3A_235 : memref<1x16x1024xf32, #tpu.memory_space<vmem>> -> memref<16x1024xf32, #tpu.memory_space<vmem>>
    tpu.enqueue_dma source(%dma_start3A_236 : memref<16x1024xf32, #tpu.memory_space<vmem>>) target(%dma_start3A_232 : memref<16x1024xf32, #tpu.memory_space<hbm>>) target_semaphore(%arg8 : memref<!tpu.dma_semaphore, #tpu.memory_space<semaphore_mem>>)
    %dma_wait3A_237 = arith.constant 0 : i32
    %dma_wait3A_238 = arith.constant 0 : i32
    %dma_wait3A_239 = arith.constant 0 : i32
    %dma_wait3A_240 = tpu.memref_slice %arg6[%dma_wait3A_237, %dma_wait3A_238, %dma_wait3A_239] : memref<6x16x1024xf32, #tpu.memory_space<vmem>> -> memref<1x16x1024xf32, #tpu.memory_space<vmem>>
    %dma_wait3A_241 = tpu.memref_squeeze %dma_wait3A_240 : memref<1x16x1024xf32, #tpu.memory_space<vmem>> -> memref<16x1024xf32, #tpu.memory_space<vmem>>
    %dma_wait3A_242 = arith.constant 0 : i32
    %dma_wait3A_243 = tpu.memref_slice %arg4[%mul3A_2, %dma_wait3A_242] : memref<32768x1024xf32, #tpu.memory_space<hbm>> -> memref<16x1024xf32, #tpu.memory_space<hbm>>
    %dma_wait3A_244 = arith.constant 0 : i32
    %dma_wait3A_245 = tpu.memref_slice %arg4[%mul3A_2, %dma_wait3A_244] : memref<32768x1024xf32, #tpu.memory_space<hbm>> -> memref<16x1024xf32, #tpu.memory_space<hbm>>
    %dma_wait3A_246 = arith.constant 0 : i32
    %dma_wait3A_247 = arith.constant 0 : i32
    %dma_wait3A_248 = tpu.memref_slice %arg6[%dma_wait3A_237, %dma_wait3A_246, %dma_wait3A_247] : memref<6x16x1024xf32, #tpu.memory_space<vmem>> -> memref<1x16x1024xf32, #tpu.memory_space<vmem>>
    %dma_wait3A_249 = tpu.memref_squeeze %dma_wait3A_248 : memref<1x16x1024xf32, #tpu.memory_space<vmem>> -> memref<16x1024xf32, #tpu.memory_space<vmem>>
    tpu.wait_dma2 semaphore(%arg8 : memref<!tpu.dma_semaphore, #tpu.memory_space<semaphore_mem>>) src(%dma_wait3A_249 : memref<16x1024xf32, #tpu.memory_space<vmem>>) dst(%dma_wait3A_245 : memref<16x1024xf32, #tpu.memory_space<hbm>>)
    %dma_start3A_250 = arith.constant 61 : i32
    %dma_start3A_251 = arith.constant 1 : i32
    %dma_start3A_252 = arith.constant 0 : i32
    %dma_start3A_253 = arith.constant 0 : i32
    %dma_start3A_254 = tpu.memref_slice %arg6[%dma_start3A_251, %dma_start3A_252, %dma_start3A_253] : memref<6x16x1024xf32, #tpu.memory_space<vmem>> -> memref<1x16x1024xf32, #tpu.memory_space<vmem>>
    %dma_start3A_255 = tpu.memref_squeeze %dma_start3A_254 : memref<1x16x1024xf32, #tpu.memory_space<vmem>> -> memref<16x1024xf32, #tpu.memory_space<vmem>>
    %dma_start3A_256 = arith.constant 0 : i32
    %dma_start3A_257 = tpu.memref_slice %arg5[%dma_start3A_250, %dma_start3A_256] : memref<64x16xi32, #tpu.memory_space<vmem>> -> memref<1x16xi32, #tpu.memory_space<vmem>>
    %dma_start3A_258 = tpu.memref_squeeze %dma_start3A_257 : memref<1x16xi32, #tpu.memory_space<vmem>> -> memref<16xi32, #tpu.memory_space<vmem>>
    %dma_start3A_259 = arith.constant 0 : i32
    %dma_start3A_260 = arith.constant 0 : i32
    %dma_start3A_261 = tpu.memref_slice %arg3[%dma_start3A_259, %dma_start3A_260] : memref<8192x1024xf32, #tpu.memory_space<hbm>> -> memref<8192x1024xf32, #tpu.memory_space<hbm>>
    tpu.enqueue_indirect_dma source(%dma_start3A_261 : memref<8192x1024xf32, #tpu.memory_space<hbm>>) target(%dma_start3A_255 : memref<16x1024xf32, #tpu.memory_space<vmem>>) offsets(%dma_start3A_258 : memref<16xi32, #tpu.memory_space<vmem>>) semaphore(%arg7 : memref<!tpu.dma_semaphore, #tpu.memory_space<semaphore_mem>>)
    %dma_wait3A_262 = arith.constant 0 : i32
    %dma_wait3A_263 = arith.constant 5 : i32
    %dma_wait3A_264 = arith.constant 0 : i32
    %dma_wait3A_265 = arith.constant 0 : i32
    %dma_wait3A_266 = tpu.memref_slice %arg6[%dma_wait3A_263, %dma_wait3A_264, %dma_wait3A_265] : memref<6x16x1024xf32, #tpu.memory_space<vmem>> -> memref<1x16x1024xf32, #tpu.memory_space<vmem>>
    %dma_wait3A_267 = tpu.memref_squeeze %dma_wait3A_266 : memref<1x16x1024xf32, #tpu.memory_space<vmem>> -> memref<16x1024xf32, #tpu.memory_space<vmem>>
    %dma_wait3A_268 = arith.constant 0 : i32
    %dma_wait3A_269 = tpu.memref_slice %arg5[%dma_wait3A_262, %dma_wait3A_268] : memref<64x16xi32, #tpu.memory_space<vmem>> -> memref<1x16xi32, #tpu.memory_space<vmem>>
    %dma_wait3A_270 = tpu.memref_squeeze %dma_wait3A_269 : memref<1x16xi32, #tpu.memory_space<vmem>> -> memref<16xi32, #tpu.memory_space<vmem>>
    %dma_wait3A_271 = arith.constant 0 : i32
    %dma_wait3A_272 = arith.constant 0 : i32
    %dma_wait3A_273 = tpu.memref_slice %arg3[%dma_wait3A_271, %dma_wait3A_272] : memref<8192x1024xf32, #tpu.memory_space<hbm>> -> memref<8192x1024xf32, #tpu.memory_space<hbm>>
    tpu.wait_indirect_dma semaphore(%arg7 : memref<!tpu.dma_semaphore, #tpu.memory_space<semaphore_mem>>) src(%dma_wait3A_273 : memref<8192x1024xf32, #tpu.memory_space<hbm>>) dst(%dma_wait3A_267 : memref<16x1024xf32, #tpu.memory_space<vmem>>)
    %add3A_274 = arith.constant 944 : i32
    %add3A_275 = arith.addi %mul3A_2, %add3A_274 : i32
    %dma_start3A_276 = arith.constant 5 : i32
    %dma_start3A_277 = arith.constant 0 : i32
    %dma_start3A_278 = arith.constant 0 : i32
    %dma_start3A_279 = tpu.memref_slice %arg6[%dma_start3A_276, %dma_start3A_277, %dma_start3A_278] : memref<6x16x1024xf32, #tpu.memory_space<vmem>> -> memref<1x16x1024xf32, #tpu.memory_space<vmem>>
    %dma_start3A_280 = tpu.memref_squeeze %dma_start3A_279 : memref<1x16x1024xf32, #tpu.memory_space<vmem>> -> memref<16x1024xf32, #tpu.memory_space<vmem>>
    %dma_start3A_281 = arith.constant 0 : i32
    %dma_start3A_282 = tpu.memref_slice %arg4[%add3A_275, %dma_start3A_281] : memref<32768x1024xf32, #tpu.memory_space<hbm>> -> memref<16x1024xf32, #tpu.memory_space<hbm>>
    %dma_start3A_283 = arith.constant 0 : i32
    %dma_start3A_284 = tpu.memref_slice %arg4[%add3A_275, %dma_start3A_283] : memref<32768x1024xf32, #tpu.memory_space<hbm>> -> memref<16x1024xf32, #tpu.memory_space<hbm>>
    %dma_start3A_285 = arith.constant 0 : i32
    %dma_start3A_286 = arith.constant 0 : i32
    %dma_start3A_287 = tpu.memref_slice %arg6[%dma_start3A_276, %dma_start3A_285, %dma_start3A_286] : memref<6x16x1024xf32, #tpu.memory_space<vmem>> -> memref<1x16x1024xf32, #tpu.memory_space<vmem>>
    %dma_start3A_288 = tpu.memref_squeeze %dma_start3A_287 : memref<1x16x1024xf32, #tpu.memory_space<vmem>> -> memref<16x1024xf32, #tpu.memory_space<vmem>>
    tpu.enqueue_dma source(%dma_start3A_288 : memref<16x1024xf32, #tpu.memory_space<vmem>>) target(%dma_start3A_284 : memref<16x1024xf32, #tpu.memory_space<hbm>>) target_semaphore(%arg8 : memref<!tpu.dma_semaphore, #tpu.memory_space<semaphore_mem>>)
    %dma_wait3A_289 = arith.constant 0 : i32
    %dma_wait3A_290 = arith.constant 0 : i32
    %dma_wait3A_291 = arith.constant 0 : i32
    %dma_wait3A_292 = tpu.memref_slice %arg6[%dma_wait3A_289, %dma_wait3A_290, %dma_wait3A_291] : memref<6x16x1024xf32, #tpu.memory_space<vmem>> -> memref<1x16x1024xf32, #tpu.memory_space<vmem>>
    %dma_wait3A_293 = tpu.memref_squeeze %dma_wait3A_292 : memref<1x16x1024xf32, #tpu.memory_space<vmem>> -> memref<16x1024xf32, #tpu.memory_space<vmem>>
    %dma_wait3A_294 = arith.constant 0 : i32
    %dma_wait3A_295 = tpu.memref_slice %arg4[%mul3A_2, %dma_wait3A_294] : memref<32768x1024xf32, #tpu.memory_space<hbm>> -> memref<16x1024xf32, #tpu.memory_space<hbm>>
    %dma_wait3A_296 = arith.constant 0 : i32
    %dma_wait3A_297 = tpu.memref_slice %arg4[%mul3A_2, %dma_wait3A_296] : memref<32768x1024xf32, #tpu.memory_space<hbm>> -> memref<16x1024xf32, #tpu.memory_space<hbm>>
    %dma_wait3A_298 = arith.constant 0 : i32
    %dma_wait3A_299 = arith.constant 0 : i32
    %dma_wait3A_300 = tpu.memref_slice %arg6[%dma_wait3A_289, %dma_wait3A_298, %dma_wait3A_299] : memref<6x16x1024xf32, #tpu.memory_space<vmem>> -> memref<1x16x1024xf32, #tpu.memory_space<vmem>>
    %dma_wait3A_301 = tpu.memref_squeeze %dma_wait3A_300 : memref<1x16x1024xf32, #tpu.memory_space<vmem>> -> memref<16x1024xf32, #tpu.memory_space<vmem>>
    tpu.wait_dma2 semaphore(%arg8 : memref<!tpu.dma_semaphore, #tpu.memory_space<semaphore_mem>>) src(%dma_wait3A_301 : memref<16x1024xf32, #tpu.memory_space<vmem>>) dst(%dma_wait3A_297 : memref<16x1024xf32, #tpu.memory_space<hbm>>)
    %dma_start3A_302 = arith.constant 62 : i32
    %dma_start3A_303 = arith.constant 2 : i32
    %dma_start3A_304 = arith.constant 0 : i32
    %dma_start3A_305 = arith.constant 0 : i32
    %dma_start3A_306 = tpu.memref_slice %arg6[%dma_start3A_303, %dma_start3A_304, %dma_start3A_305] : memref<6x16x1024xf32, #tpu.memory_space<vmem>> -> memref<1x16x1024xf32, #tpu.memory_space<vmem>>
    %dma_start3A_307 = tpu.memref_squeeze %dma_start3A_306 : memref<1x16x1024xf32, #tpu.memory_space<vmem>> -> memref<16x1024xf32, #tpu.memory_space<vmem>>
    %dma_start3A_308 = arith.constant 0 : i32
    %dma_start3A_309 = tpu.memref_slice %arg5[%dma_start3A_302, %dma_start3A_308] : memref<64x16xi32, #tpu.memory_space<vmem>> -> memref<1x16xi32, #tpu.memory_space<vmem>>
    %dma_start3A_310 = tpu.memref_squeeze %dma_start3A_309 : memref<1x16xi32, #tpu.memory_space<vmem>> -> memref<16xi32, #tpu.memory_space<vmem>>
    %dma_start3A_311 = arith.constant 0 : i32
    %dma_start3A_312 = arith.constant 0 : i32
    %dma_start3A_313 = tpu.memref_slice %arg3[%dma_start3A_311, %dma_start3A_312] : memref<8192x1024xf32, #tpu.memory_space<hbm>> -> memref<8192x1024xf32, #tpu.memory_space<hbm>>
    tpu.enqueue_indirect_dma source(%dma_start3A_313 : memref<8192x1024xf32, #tpu.memory_space<hbm>>) target(%dma_start3A_307 : memref<16x1024xf32, #tpu.memory_space<vmem>>) offsets(%dma_start3A_310 : memref<16xi32, #tpu.memory_space<vmem>>) semaphore(%arg7 : memref<!tpu.dma_semaphore, #tpu.memory_space<semaphore_mem>>)
    %dma_wait3A_314 = arith.constant 0 : i32
    %dma_wait3A_315 = arith.constant 0 : i32
    %dma_wait3A_316 = arith.constant 0 : i32
    %dma_wait3A_317 = arith.constant 0 : i32
    %dma_wait3A_318 = tpu.memref_slice %arg6[%dma_wait3A_315, %dma_wait3A_316, %dma_wait3A_317] : memref<6x16x1024xf32, #tpu.memory_space<vmem>> -> memref<1x16x1024xf32, #tpu.memory_space<vmem>>
    %dma_wait3A_319 = tpu.memref_squeeze %dma_wait3A_318 : memref<1x16x1024xf32, #tpu.memory_space<vmem>> -> memref<16x1024xf32, #tpu.memory_space<vmem>>
    %dma_wait3A_320 = arith.constant 0 : i32
    %dma_wait3A_321 = tpu.memref_slice %arg5[%dma_wait3A_314, %dma_wait3A_320] : memref<64x16xi32, #tpu.memory_space<vmem>> -> memref<1x16xi32, #tpu.memory_space<vmem>>
    %dma_wait3A_322 = tpu.memref_squeeze %dma_wait3A_321 : memref<1x16xi32, #tpu.memory_space<vmem>> -> memref<16xi32, #tpu.memory_space<vmem>>
    %dma_wait3A_323 = arith.constant 0 : i32
    %dma_wait3A_324 = arith.constant 0 : i32
    %dma_wait3A_325 = tpu.memref_slice %arg3[%dma_wait3A_323, %dma_wait3A_324] : memref<8192x1024xf32, #tpu.memory_space<hbm>> -> memref<8192x1024xf32, #tpu.memory_space<hbm>>
    tpu.wait_indirect_dma semaphore(%arg7 : memref<!tpu.dma_semaphore, #tpu.memory_space<semaphore_mem>>) src(%dma_wait3A_325 : memref<8192x1024xf32, #tpu.memory_space<hbm>>) dst(%dma_wait3A_319 : memref<16x1024xf32, #tpu.memory_space<vmem>>)
    %add3A_326 = arith.constant 960 : i32
    %add3A_327 = arith.addi %mul3A_2, %add3A_326 : i32
    %dma_start3A_328 = arith.constant 0 : i32
    %dma_start3A_329 = arith.constant 0 : i32
    %dma_start3A_330 = arith.constant 0 : i32
    %dma_start3A_331 = tpu.memref_slice %arg6[%dma_start3A_328, %dma_start3A_329, %dma_start3A_330] : memref<6x16x1024xf32, #tpu.memory_space<vmem>> -> memref<1x16x1024xf32, #tpu.memory_space<vmem>>
    %dma_start3A_332 = tpu.memref_squeeze %dma_start3A_331 : memref<1x16x1024xf32, #tpu.memory_space<vmem>> -> memref<16x1024xf32, #tpu.memory_space<vmem>>
    %dma_start3A_333 = arith.constant 0 : i32
    %dma_start3A_334 = tpu.memref_slice %arg4[%add3A_327, %dma_start3A_333] : memref<32768x1024xf32, #tpu.memory_space<hbm>> -> memref<16x1024xf32, #tpu.memory_space<hbm>>
    %dma_start3A_335 = arith.constant 0 : i32
    %dma_start3A_336 = tpu.memref_slice %arg4[%add3A_327, %dma_start3A_335] : memref<32768x1024xf32, #tpu.memory_space<hbm>> -> memref<16x1024xf32, #tpu.memory_space<hbm>>
    %dma_start3A_337 = arith.constant 0 : i32
    %dma_start3A_338 = arith.constant 0 : i32
    %dma_start3A_339 = tpu.memref_slice %arg6[%dma_start3A_328, %dma_start3A_337, %dma_start3A_338] : memref<6x16x1024xf32, #tpu.memory_space<vmem>> -> memref<1x16x1024xf32, #tpu.memory_space<vmem>>
    %dma_start3A_340 = tpu.memref_squeeze %dma_start3A_339 : memref<1x16x1024xf32, #tpu.memory_space<vmem>> -> memref<16x1024xf32, #tpu.memory_space<vmem>>
    tpu.enqueue_dma source(%dma_start3A_340 : memref<16x1024xf32, #tpu.memory_space<vmem>>) target(%dma_start3A_336 : memref<16x1024xf32, #tpu.memory_space<hbm>>) target_semaphore(%arg8 : memref<!tpu.dma_semaphore, #tpu.memory_space<semaphore_mem>>)
    %dma_wait3A_341 = arith.constant 0 : i32
    %dma_wait3A_342 = arith.constant 0 : i32
    %dma_wait3A_343 = arith.constant 0 : i32
    %dma_wait3A_344 = tpu.memref_slice %arg6[%dma_wait3A_341, %dma_wait3A_342, %dma_wait3A_343] : memref<6x16x1024xf32, #tpu.memory_space<vmem>> -> memref<1x16x1024xf32, #tpu.memory_space<vmem>>
    %dma_wait3A_345 = tpu.memref_squeeze %dma_wait3A_344 : memref<1x16x1024xf32, #tpu.memory_space<vmem>> -> memref<16x1024xf32, #tpu.memory_space<vmem>>
    %dma_wait3A_346 = arith.constant 0 : i32
    %dma_wait3A_347 = tpu.memref_slice %arg4[%mul3A_2, %dma_wait3A_346] : memref<32768x1024xf32, #tpu.memory_space<hbm>> -> memref<16x1024xf32, #tpu.memory_space<hbm>>
    %dma_wait3A_348 = arith.constant 0 : i32
    %dma_wait3A_349 = tpu.memref_slice %arg4[%mul3A_2, %dma_wait3A_348] : memref<32768x1024xf32, #tpu.memory_space<hbm>> -> memref<16x1024xf32, #tpu.memory_space<hbm>>
    %dma_wait3A_350 = arith.constant 0 : i32
    %dma_wait3A_351 = arith.constant 0 : i32
    %dma_wait3A_352 = tpu.memref_slice %arg6[%dma_wait3A_341, %dma_wait3A_350, %dma_wait3A_351] : memref<6x16x1024xf32, #tpu.memory_space<vmem>> -> memref<1x16x1024xf32, #tpu.memory_space<vmem>>
    %dma_wait3A_353 = tpu.memref_squeeze %dma_wait3A_352 : memref<1x16x1024xf32, #tpu.memory_space<vmem>> -> memref<16x1024xf32, #tpu.memory_space<vmem>>
    tpu.wait_dma2 semaphore(%arg8 : memref<!tpu.dma_semaphore, #tpu.memory_space<semaphore_mem>>) src(%dma_wait3A_353 : memref<16x1024xf32, #tpu.memory_space<vmem>>) dst(%dma_wait3A_349 : memref<16x1024xf32, #tpu.memory_space<hbm>>)
    %dma_start3A_354 = arith.constant 63 : i32
    %dma_start3A_355 = arith.constant 3 : i32
    %dma_start3A_356 = arith.constant 0 : i32
    %dma_start3A_357 = arith.constant 0 : i32
    %dma_start3A_358 = tpu.memref_slice %arg6[%dma_start3A_355, %dma_start3A_356, %dma_start3A_357] : memref<6x16x1024xf32, #tpu.memory_space<vmem>> -> memref<1x16x1024xf32, #tpu.memory_space<vmem>>
    %dma_start3A_359 = tpu.memref_squeeze %dma_start3A_358 : memref<1x16x1024xf32, #tpu.memory_space<vmem>> -> memref<16x1024xf32, #tpu.memory_space<vmem>>
    %dma_start3A_360 = arith.constant 0 : i32
    %dma_start3A_361 = tpu.memref_slice %arg5[%dma_start3A_354, %dma_start3A_360] : memref<64x16xi32, #tpu.memory_space<vmem>> -> memref<1x16xi32, #tpu.memory_space<vmem>>
    %dma_start3A_362 = tpu.memref_squeeze %dma_start3A_361 : memref<1x16xi32, #tpu.memory_space<vmem>> -> memref<16xi32, #tpu.memory_space<vmem>>
    %dma_start3A_363 = arith.constant 0 : i32
    %dma_start3A_364 = arith.constant 0 : i32
    %dma_start3A_365 = tpu.memref_slice %arg3[%dma_start3A_363, %dma_start3A_364] : memref<8192x1024xf32, #tpu.memory_space<hbm>> -> memref<8192x1024xf32, #tpu.memory_space<hbm>>
    tpu.enqueue_indirect_dma source(%dma_start3A_365 : memref<8192x1024xf32, #tpu.memory_space<hbm>>) target(%dma_start3A_359 : memref<16x1024xf32, #tpu.memory_space<vmem>>) offsets(%dma_start3A_362 : memref<16xi32, #tpu.memory_space<vmem>>) semaphore(%arg7 : memref<!tpu.dma_semaphore, #tpu.memory_space<semaphore_mem>>)
    %dma_wait3A_366 = arith.constant 0 : i32
    %dma_wait3A_367 = arith.constant 1 : i32
    %dma_wait3A_368 = arith.constant 0 : i32
    %dma_wait3A_369 = arith.constant 0 : i32
    %dma_wait3A_370 = tpu.memref_slice %arg6[%dma_wait3A_367, %dma_wait3A_368, %dma_wait3A_369] : memref<6x16x1024xf32, #tpu.memory_space<vmem>> -> memref<1x16x1024xf32, #tpu.memory_space<vmem>>
    %dma_wait3A_371 = tpu.memref_squeeze %dma_wait3A_370 : memref<1x16x1024xf32, #tpu.memory_space<vmem>> -> memref<16x1024xf32, #tpu.memory_space<vmem>>
    %dma_wait3A_372 = arith.constant 0 : i32
    %dma_wait3A_373 = tpu.memref_slice %arg5[%dma_wait3A_366, %dma_wait3A_372] : memref<64x16xi32, #tpu.memory_space<vmem>> -> memref<1x16xi32, #tpu.memory_space<vmem>>
    %dma_wait3A_374 = tpu.memref_squeeze %dma_wait3A_373 : memref<1x16xi32, #tpu.memory_space<vmem>> -> memref<16xi32, #tpu.memory_space<vmem>>
    %dma_wait3A_375 = arith.constant 0 : i32
    %dma_wait3A_376 = arith.constant 0 : i32
    %dma_wait3A_377 = tpu.memref_slice %arg3[%dma_wait3A_375, %dma_wait3A_376] : memref<8192x1024xf32, #tpu.memory_space<hbm>> -> memref<8192x1024xf32, #tpu.memory_space<hbm>>
    tpu.wait_indirect_dma semaphore(%arg7 : memref<!tpu.dma_semaphore, #tpu.memory_space<semaphore_mem>>) src(%dma_wait3A_377 : memref<8192x1024xf32, #tpu.memory_space<hbm>>) dst(%dma_wait3A_371 : memref<16x1024xf32, #tpu.memory_space<vmem>>)
    %add3A_378 = arith.constant 976 : i32
    %add3A_379 = arith.addi %mul3A_2, %add3A_378 : i32
    %dma_start3A_380 = arith.constant 1 : i32
    %dma_start3A_381 = arith.constant 0 : i32
    %dma_start3A_382 = arith.constant 0 : i32
    %dma_start3A_383 = tpu.memref_slice %arg6[%dma_start3A_380, %dma_start3A_381, %dma_start3A_382] : memref<6x16x1024xf32, #tpu.memory_space<vmem>> -> memref<1x16x1024xf32, #tpu.memory_space<vmem>>
    %dma_start3A_384 = tpu.memref_squeeze %dma_start3A_383 : memref<1x16x1024xf32, #tpu.memory_space<vmem>> -> memref<16x1024xf32, #tpu.memory_space<vmem>>
    %dma_start3A_385 = arith.constant 0 : i32
    %dma_start3A_386 = tpu.memref_slice %arg4[%add3A_379, %dma_start3A_385] : memref<32768x1024xf32, #tpu.memory_space<hbm>> -> memref<16x1024xf32, #tpu.memory_space<hbm>>
    %dma_start3A_387 = arith.constant 0 : i32
    %dma_start3A_388 = tpu.memref_slice %arg4[%add3A_379, %dma_start3A_387] : memref<32768x1024xf32, #tpu.memory_space<hbm>> -> memref<16x1024xf32, #tpu.memory_space<hbm>>
    %dma_start3A_389 = arith.constant 0 : i32
    %dma_start3A_390 = arith.constant 0 : i32
    %dma_start3A_391 = tpu.memref_slice %arg6[%dma_start3A_380, %dma_start3A_389, %dma_start3A_390] : memref<6x16x1024xf32, #tpu.memory_space<vmem>> -> memref<1x16x1024xf32, #tpu.memory_space<vmem>>
    %dma_start3A_392 = tpu.memref_squeeze %dma_start3A_391 : memref<1x16x1024xf32, #tpu.memory_space<vmem>> -> memref<16x1024xf32, #tpu.memory_space<vmem>>
    tpu.enqueue_dma source(%dma_start3A_392 : memref<16x1024xf32, #tpu.memory_space<vmem>>) target(%dma_start3A_388 : memref<16x1024xf32, #tpu.memory_space<hbm>>) target_semaphore(%arg8 : memref<!tpu.dma_semaphore, #tpu.memory_space<semaphore_mem>>)
    %dma_wait3A_393 = arith.constant 0 : i32
    %dma_wait3A_394 = arith.constant 0 : i32
    %dma_wait3A_395 = arith.constant 0 : i32
    %dma_wait3A_396 = tpu.memref_slice %arg6[%dma_wait3A_393, %dma_wait3A_394, %dma_wait3A_395] : memref<6x16x1024xf32, #tpu.memory_space<vmem>> -> memref<1x16x1024xf32, #tpu.memory_space<vmem>>
    %dma_wait3A_397 = tpu.memref_squeeze %dma_wait3A_396 : memref<1x16x1024xf32, #tpu.memory_space<vmem>> -> memref<16x1024xf32, #tpu.memory_space<vmem>>
    %dma_wait3A_398 = arith.constant 0 : i32
    %dma_wait3A_399 = tpu.memref_slice %arg4[%mul3A_2, %dma_wait3A_398] : memref<32768x1024xf32, #tpu.memory_space<hbm>> -> memref<16x1024xf32, #tpu.memory_space<hbm>>
    %dma_wait3A_400 = arith.constant 0 : i32
    %dma_wait3A_401 = tpu.memref_slice %arg4[%mul3A_2, %dma_wait3A_400] : memref<32768x1024xf32, #tpu.memory_space<hbm>> -> memref<16x1024xf32, #tpu.memory_space<hbm>>
    %dma_wait3A_402 = arith.constant 0 : i32
    %dma_wait3A_403 = arith.constant 0 : i32
    %dma_wait3A_404 = tpu.memref_slice %arg6[%dma_wait3A_393, %dma_wait3A_402, %dma_wait3A_403] : memref<6x16x1024xf32, #tpu.memory_space<vmem>> -> memref<1x16x1024xf32, #tpu.memory_space<vmem>>
    %dma_wait3A_405 = tpu.memref_squeeze %dma_wait3A_404 : memref<1x16x1024xf32, #tpu.memory_space<vmem>> -> memref<16x1024xf32, #tpu.memory_space<vmem>>
    tpu.wait_dma2 semaphore(%arg8 : memref<!tpu.dma_semaphore, #tpu.memory_space<semaphore_mem>>) src(%dma_wait3A_405 : memref<16x1024xf32, #tpu.memory_space<vmem>>) dst(%dma_wait3A_401 : memref<16x1024xf32, #tpu.memory_space<hbm>>)
    %dma_wait3A_406 = arith.constant 0 : i32
    %dma_wait3A_407 = arith.constant 2 : i32
    %dma_wait3A_408 = arith.constant 0 : i32
    %dma_wait3A_409 = arith.constant 0 : i32
    %dma_wait3A_410 = tpu.memref_slice %arg6[%dma_wait3A_407, %dma_wait3A_408, %dma_wait3A_409] : memref<6x16x1024xf32, #tpu.memory_space<vmem>> -> memref<1x16x1024xf32, #tpu.memory_space<vmem>>
    %dma_wait3A_411 = tpu.memref_squeeze %dma_wait3A_410 : memref<1x16x1024xf32, #tpu.memory_space<vmem>> -> memref<16x1024xf32, #tpu.memory_space<vmem>>
    %dma_wait3A_412 = arith.constant 0 : i32
    %dma_wait3A_413 = tpu.memref_slice %arg5[%dma_wait3A_406, %dma_wait3A_412] : memref<64x16xi32, #tpu.memory_space<vmem>> -> memref<1x16xi32, #tpu.memory_space<vmem>>
    %dma_wait3A_414 = tpu.memref_squeeze %dma_wait3A_413 : memref<1x16xi32, #tpu.memory_space<vmem>> -> memref<16xi32, #tpu.memory_space<vmem>>
    %dma_wait3A_415 = arith.constant 0 : i32
    %dma_wait3A_416 = arith.constant 0 : i32
    %dma_wait3A_417 = tpu.memref_slice %arg3[%dma_wait3A_415, %dma_wait3A_416] : memref<8192x1024xf32, #tpu.memory_space<hbm>> -> memref<8192x1024xf32, #tpu.memory_space<hbm>>
    tpu.wait_indirect_dma semaphore(%arg7 : memref<!tpu.dma_semaphore, #tpu.memory_space<semaphore_mem>>) src(%dma_wait3A_417 : memref<8192x1024xf32, #tpu.memory_space<hbm>>) dst(%dma_wait3A_411 : memref<16x1024xf32, #tpu.memory_space<vmem>>)
    %add3A_418 = arith.constant 992 : i32
    %add3A_419 = arith.addi %mul3A_2, %add3A_418 : i32
    %dma_start3A_420 = arith.constant 2 : i32
    %dma_start3A_421 = arith.constant 0 : i32
    %dma_start3A_422 = arith.constant 0 : i32
    %dma_start3A_423 = tpu.memref_slice %arg6[%dma_start3A_420, %dma_start3A_421, %dma_start3A_422] : memref<6x16x1024xf32, #tpu.memory_space<vmem>> -> memref<1x16x1024xf32, #tpu.memory_space<vmem>>
    %dma_start3A_424 = tpu.memref_squeeze %dma_start3A_423 : memref<1x16x1024xf32, #tpu.memory_space<vmem>> -> memref<16x1024xf32, #tpu.memory_space<vmem>>
    %dma_start3A_425 = arith.constant 0 : i32
    %dma_start3A_426 = tpu.memref_slice %arg4[%add3A_419, %dma_start3A_425] : memref<32768x1024xf32, #tpu.memory_space<hbm>> -> memref<16x1024xf32, #tpu.memory_space<hbm>>
    %dma_start3A_427 = arith.constant 0 : i32
    %dma_start3A_428 = tpu.memref_slice %arg4[%add3A_419, %dma_start3A_427] : memref<32768x1024xf32, #tpu.memory_space<hbm>> -> memref<16x1024xf32, #tpu.memory_space<hbm>>
    %dma_start3A_429 = arith.constant 0 : i32
    %dma_start3A_430 = arith.constant 0 : i32
    %dma_start3A_431 = tpu.memref_slice %arg6[%dma_start3A_420, %dma_start3A_429, %dma_start3A_430] : memref<6x16x1024xf32, #tpu.memory_space<vmem>> -> memref<1x16x1024xf32, #tpu.memory_space<vmem>>
    %dma_start3A_432 = tpu.memref_squeeze %dma_start3A_431 : memref<1x16x1024xf32, #tpu.memory_space<vmem>> -> memref<16x1024xf32, #tpu.memory_space<vmem>>
    tpu.enqueue_dma source(%dma_start3A_432 : memref<16x1024xf32, #tpu.memory_space<vmem>>) target(%dma_start3A_428 : memref<16x1024xf32, #tpu.memory_space<hbm>>) target_semaphore(%arg8 : memref<!tpu.dma_semaphore, #tpu.memory_space<semaphore_mem>>)
    %dma_wait3A_433 = arith.constant 0 : i32
    %dma_wait3A_434 = arith.constant 0 : i32
    %dma_wait3A_435 = arith.constant 0 : i32
    %dma_wait3A_436 = tpu.memref_slice %arg6[%dma_wait3A_433, %dma_wait3A_434, %dma_wait3A_435] : memref<6x16x1024xf32, #tpu.memory_space<vmem>> -> memref<1x16x1024xf32, #tpu.memory_space<vmem>>
    %dma_wait3A_437 = tpu.memref_squeeze %dma_wait3A_436 : memref<1x16x1024xf32, #tpu.memory_space<vmem>> -> memref<16x1024xf32, #tpu.memory_space<vmem>>
    %dma_wait3A_438 = arith.constant 0 : i32
    %dma_wait3A_439 = tpu.memref_slice %arg4[%mul3A_2, %dma_wait3A_438] : memref<32768x1024xf32, #tpu.memory_space<hbm>> -> memref<16x1024xf32, #tpu.memory_space<hbm>>
    %dma_wait3A_440 = arith.constant 0 : i32
    %dma_wait3A_441 = tpu.memref_slice %arg4[%mul3A_2, %dma_wait3A_440] : memref<32768x1024xf32, #tpu.memory_space<hbm>> -> memref<16x1024xf32, #tpu.memory_space<hbm>>
    %dma_wait3A_442 = arith.constant 0 : i32
    %dma_wait3A_443 = arith.constant 0 : i32
    %dma_wait3A_444 = tpu.memref_slice %arg6[%dma_wait3A_433, %dma_wait3A_442, %dma_wait3A_443] : memref<6x16x1024xf32, #tpu.memory_space<vmem>> -> memref<1x16x1024xf32, #tpu.memory_space<vmem>>
    %dma_wait3A_445 = tpu.memref_squeeze %dma_wait3A_444 : memref<1x16x1024xf32, #tpu.memory_space<vmem>> -> memref<16x1024xf32, #tpu.memory_space<vmem>>
    tpu.wait_dma2 semaphore(%arg8 : memref<!tpu.dma_semaphore, #tpu.memory_space<semaphore_mem>>) src(%dma_wait3A_445 : memref<16x1024xf32, #tpu.memory_space<vmem>>) dst(%dma_wait3A_441 : memref<16x1024xf32, #tpu.memory_space<hbm>>)
    %dma_wait3A_446 = arith.constant 0 : i32
    %dma_wait3A_447 = arith.constant 3 : i32
    %dma_wait3A_448 = arith.constant 0 : i32
    %dma_wait3A_449 = arith.constant 0 : i32
    %dma_wait3A_450 = tpu.memref_slice %arg6[%dma_wait3A_447, %dma_wait3A_448, %dma_wait3A_449] : memref<6x16x1024xf32, #tpu.memory_space<vmem>> -> memref<1x16x1024xf32, #tpu.memory_space<vmem>>
    %dma_wait3A_451 = tpu.memref_squeeze %dma_wait3A_450 : memref<1x16x1024xf32, #tpu.memory_space<vmem>> -> memref<16x1024xf32, #tpu.memory_space<vmem>>
    %dma_wait3A_452 = arith.constant 0 : i32
    %dma_wait3A_453 = tpu.memref_slice %arg5[%dma_wait3A_446, %dma_wait3A_452] : memref<64x16xi32, #tpu.memory_space<vmem>> -> memref<1x16xi32, #tpu.memory_space<vmem>>
    %dma_wait3A_454 = tpu.memref_squeeze %dma_wait3A_453 : memref<1x16xi32, #tpu.memory_space<vmem>> -> memref<16xi32, #tpu.memory_space<vmem>>
    %dma_wait3A_455 = arith.constant 0 : i32
    %dma_wait3A_456 = arith.constant 0 : i32
    %dma_wait3A_457 = tpu.memref_slice %arg3[%dma_wait3A_455, %dma_wait3A_456] : memref<8192x1024xf32, #tpu.memory_space<hbm>> -> memref<8192x1024xf32, #tpu.memory_space<hbm>>
    tpu.wait_indirect_dma semaphore(%arg7 : memref<!tpu.dma_semaphore, #tpu.memory_space<semaphore_mem>>) src(%dma_wait3A_457 : memref<8192x1024xf32, #tpu.memory_space<hbm>>) dst(%dma_wait3A_451 : memref<16x1024xf32, #tpu.memory_space<vmem>>)
    %add3A_458 = arith.constant 1008 : i32
    %add3A_459 = arith.addi %mul3A_2, %add3A_458 : i32
    %dma_start3A_460 = arith.constant 3 : i32
    %dma_start3A_461 = arith.constant 0 : i32
    %dma_start3A_462 = arith.constant 0 : i32
    %dma_start3A_463 = tpu.memref_slice %arg6[%dma_start3A_460, %dma_start3A_461, %dma_start3A_462] : memref<6x16x1024xf32, #tpu.memory_space<vmem>> -> memref<1x16x1024xf32, #tpu.memory_space<vmem>>
    %dma_start3A_464 = tpu.memref_squeeze %dma_start3A_463 : memref<1x16x1024xf32, #tpu.memory_space<vmem>> -> memref<16x1024xf32, #tpu.memory_space<vmem>>
    %dma_start3A_465 = arith.constant 0 : i32
    %dma_start3A_466 = tpu.memref_slice %arg4[%add3A_459, %dma_start3A_465] : memref<32768x1024xf32, #tpu.memory_space<hbm>> -> memref<16x1024xf32, #tpu.memory_space<hbm>>
    %dma_start3A_467 = arith.constant 0 : i32
    %dma_start3A_468 = tpu.memref_slice %arg4[%add3A_459, %dma_start3A_467] : memref<32768x1024xf32, #tpu.memory_space<hbm>> -> memref<16x1024xf32, #tpu.memory_space<hbm>>
    %dma_start3A_469 = arith.constant 0 : i32
    %dma_start3A_470 = arith.constant 0 : i32
    %dma_start3A_471 = tpu.memref_slice %arg6[%dma_start3A_460, %dma_start3A_469, %dma_start3A_470] : memref<6x16x1024xf32, #tpu.memory_space<vmem>> -> memref<1x16x1024xf32, #tpu.memory_space<vmem>>
    %dma_start3A_472 = tpu.memref_squeeze %dma_start3A_471 : memref<1x16x1024xf32, #tpu.memory_space<vmem>> -> memref<16x1024xf32, #tpu.memory_space<vmem>>
    tpu.enqueue_dma source(%dma_start3A_472 : memref<16x1024xf32, #tpu.memory_space<vmem>>) target(%dma_start3A_468 : memref<16x1024xf32, #tpu.memory_space<hbm>>) target_semaphore(%arg8 : memref<!tpu.dma_semaphore, #tpu.memory_space<semaphore_mem>>)
    %dma_wait3A_473 = arith.constant 0 : i32
    %dma_wait3A_474 = arith.constant 0 : i32
    %dma_wait3A_475 = arith.constant 0 : i32
    %dma_wait3A_476 = tpu.memref_slice %arg6[%dma_wait3A_473, %dma_wait3A_474, %dma_wait3A_475] : memref<6x16x1024xf32, #tpu.memory_space<vmem>> -> memref<1x16x1024xf32, #tpu.memory_space<vmem>>
    %dma_wait3A_477 = tpu.memref_squeeze %dma_wait3A_476 : memref<1x16x1024xf32, #tpu.memory_space<vmem>> -> memref<16x1024xf32, #tpu.memory_space<vmem>>
    %dma_wait3A_478 = arith.constant 0 : i32
    %dma_wait3A_479 = tpu.memref_slice %arg4[%mul3A_2, %dma_wait3A_478] : memref<32768x1024xf32, #tpu.memory_space<hbm>> -> memref<16x1024xf32, #tpu.memory_space<hbm>>
    %dma_wait3A_480 = arith.constant 0 : i32
    %dma_wait3A_481 = tpu.memref_slice %arg4[%mul3A_2, %dma_wait3A_480] : memref<32768x1024xf32, #tpu.memory_space<hbm>> -> memref<16x1024xf32, #tpu.memory_space<hbm>>
    %dma_wait3A_482 = arith.constant 0 : i32
    %dma_wait3A_483 = arith.constant 0 : i32
    %dma_wait3A_484 = tpu.memref_slice %arg6[%dma_wait3A_473, %dma_wait3A_482, %dma_wait3A_483] : memref<6x16x1024xf32, #tpu.memory_space<vmem>> -> memref<1x16x1024xf32, #tpu.memory_space<vmem>>
    %dma_wait3A_485 = tpu.memref_squeeze %dma_wait3A_484 : memref<1x16x1024xf32, #tpu.memory_space<vmem>> -> memref<16x1024xf32, #tpu.memory_space<vmem>>
    tpu.wait_dma2 semaphore(%arg8 : memref<!tpu.dma_semaphore, #tpu.memory_space<semaphore_mem>>) src(%dma_wait3A_485 : memref<16x1024xf32, #tpu.memory_space<vmem>>) dst(%dma_wait3A_481 : memref<16x1024xf32, #tpu.memory_space<hbm>>)
    %dma_wait3A_486 = arith.constant 0 : i32
    %dma_wait3A_487 = arith.constant 0 : i32
    %dma_wait3A_488 = arith.constant 0 : i32
    %dma_wait3A_489 = tpu.memref_slice %arg6[%dma_wait3A_486, %dma_wait3A_487, %dma_wait3A_488] : memref<6x16x1024xf32, #tpu.memory_space<vmem>> -> memref<1x16x1024xf32, #tpu.memory_space<vmem>>
    %dma_wait3A_490 = tpu.memref_squeeze %dma_wait3A_489 : memref<1x16x1024xf32, #tpu.memory_space<vmem>> -> memref<16x1024xf32, #tpu.memory_space<vmem>>
    %dma_wait3A_491 = arith.constant 0 : i32
    %dma_wait3A_492 = tpu.memref_slice %arg4[%mul3A_2, %dma_wait3A_491] : memref<32768x1024xf32, #tpu.memory_space<hbm>> -> memref<16x1024xf32, #tpu.memory_space<hbm>>
    %dma_wait3A_493 = arith.constant 0 : i32
    %dma_wait3A_494 = tpu.memref_slice %arg4[%mul3A_2, %dma_wait3A_493] : memref<32768x1024xf32, #tpu.memory_space<hbm>> -> memref<16x1024xf32, #tpu.memory_space<hbm>>
    %dma_wait3A_495 = arith.constant 0 : i32
    %dma_wait3A_496 = arith.constant 0 : i32
    %dma_wait3A_497 = tpu.memref_slice %arg6[%dma_wait3A_486, %dma_wait3A_495, %dma_wait3A_496] : memref<6x16x1024xf32, #tpu.memory_space<vmem>> -> memref<1x16x1024xf32, #tpu.memory_space<vmem>>
    %dma_wait3A_498 = tpu.memref_squeeze %dma_wait3A_497 : memref<1x16x1024xf32, #tpu.memory_space<vmem>> -> memref<16x1024xf32, #tpu.memory_space<vmem>>
    tpu.wait_dma2 semaphore(%arg8 : memref<!tpu.dma_semaphore, #tpu.memory_space<semaphore_mem>>) src(%dma_wait3A_498 : memref<16x1024xf32, #tpu.memory_space<vmem>>) dst(%dma_wait3A_494 : memref<16x1024xf32, #tpu.memory_space<hbm>>)
    %dma_wait3A_499 = arith.constant 0 : i32
    %dma_wait3A_500 = arith.constant 0 : i32
    %dma_wait3A_501 = arith.constant 0 : i32
    %dma_wait3A_502 = tpu.memref_slice %arg6[%dma_wait3A_499, %dma_wait3A_500, %dma_wait3A_501] : memref<6x16x1024xf32, #tpu.memory_space<vmem>> -> memref<1x16x1024xf32, #tpu.memory_space<vmem>>
    %dma_wait3A_503 = tpu.memref_squeeze %dma_wait3A_502 : memref<1x16x1024xf32, #tpu.memory_space<vmem>> -> memref<16x1024xf32, #tpu.memory_space<vmem>>
    %dma_wait3A_504 = arith.constant 0 : i32
    %dma_wait3A_505 = tpu.memref_slice %arg4[%mul3A_2, %dma_wait3A_504] : memref<32768x1024xf32, #tpu.memory_space<hbm>> -> memref<16x1024xf32, #tpu.memory_space<hbm>>
    %dma_wait3A_506 = arith.constant 0 : i32
    %dma_wait3A_507 = tpu.memref_slice %arg4[%mul3A_2, %dma_wait3A_506] : memref<32768x1024xf32, #tpu.memory_space<hbm>> -> memref<16x1024xf32, #tpu.memory_space<hbm>>
    %dma_wait3A_508 = arith.constant 0 : i32
    %dma_wait3A_509 = arith.constant 0 : i32
    %dma_wait3A_510 = tpu.memref_slice %arg6[%dma_wait3A_499, %dma_wait3A_508, %dma_wait3A_509] : memref<6x16x1024xf32, #tpu.memory_space<vmem>> -> memref<1x16x1024xf32, #tpu.memory_space<vmem>>
    %dma_wait3A_511 = tpu.memref_squeeze %dma_wait3A_510 : memref<1x16x1024xf32, #tpu.memory_space<vmem>> -> memref<16x1024xf32, #tpu.memory_space<vmem>>
    tpu.wait_dma2 semaphore(%arg8 : memref<!tpu.dma_semaphore, #tpu.memory_space<semaphore_mem>>) src(%dma_wait3A_511 : memref<16x1024xf32, #tpu.memory_space<vmem>>) dst(%dma_wait3A_507 : memref<16x1024xf32, #tpu.memory_space<hbm>>)
    %dma_wait3A_512 = arith.constant 0 : i32
    %dma_wait3A_513 = arith.constant 0 : i32
    %dma_wait3A_514 = arith.constant 0 : i32
    %dma_wait3A_515 = tpu.memref_slice %arg6[%dma_wait3A_512, %dma_wait3A_513, %dma_wait3A_514] : memref<6x16x1024xf32, #tpu.memory_space<vmem>> -> memref<1x16x1024xf32, #tpu.memory_space<vmem>>
    %dma_wait3A_516 = tpu.memref_squeeze %dma_wait3A_515 : memref<1x16x1024xf32, #tpu.memory_space<vmem>> -> memref<16x1024xf32, #tpu.memory_space<vmem>>
    %dma_wait3A_517 = arith.constant 0 : i32
    %dma_wait3A_518 = tpu.memref_slice %arg4[%mul3A_2, %dma_wait3A_517] : memref<32768x1024xf32, #tpu.memory_space<hbm>> -> memref<16x1024xf32, #tpu.memory_space<hbm>>
    %dma_wait3A_519 = arith.constant 0 : i32
    %dma_wait3A_520 = tpu.memref_slice %arg4[%mul3A_2, %dma_wait3A_519] : memref<32768x1024xf32, #tpu.memory_space<hbm>> -> memref<16x1024xf32, #tpu.memory_space<hbm>>
    %dma_wait3A_521 = arith.constant 0 : i32
    %dma_wait3A_522 = arith.constant 0 : i32
    %dma_wait3A_523 = tpu.memref_slice %arg6[%dma_wait3A_512, %dma_wait3A_521, %dma_wait3A_522] : memref<6x16x1024xf32, #tpu.memory_space<vmem>> -> memref<1x16x1024xf32, #tpu.memory_space<vmem>>
    %dma_wait3A_524 = tpu.memref_squeeze %dma_wait3A_523 : memref<1x16x1024xf32, #tpu.memory_space<vmem>> -> memref<16x1024xf32, #tpu.memory_space<vmem>>
    tpu.wait_dma2 semaphore(%arg8 : memref<!tpu.dma_semaphore, #tpu.memory_space<semaphore_mem>>) src(%dma_wait3A_524 : memref<16x1024xf32, #tpu.memory_space<vmem>>) dst(%dma_wait3A_520 : memref<16x1024xf32, #tpu.memory_space<hbm>>)
    return
  }
}

</mosaic_0001>

<sc_bundles>
// kernel: kernel.3.cloned.1.call-start
scs
__scs_entry_jumppad:
0x0: {  	(pc) =	sbr.rel $0x88, $3  }
0x1: {  	(tag) =	ssettag $0x0;
	lr =	simm.s32 $0x1  }
0x2: {  	[smem:$0x3F9F] =	sst lr;
	_ =	strace $0xD0000000  }
0x3: {  	_ = 	snop  }
0x4: {  	_ = 	snop  }
0x5: {  	_ = 	snop  }
0x6: {  	_ = 	snop  }
0x7: {  	_ = 	snop  }
__scs_overlays_trampoline_lowered:
0x8: {  	[smem:$0x3FAE] =	sst s0  }
0x9: {  	[smem:$0x3FAF] =	sst s1  }
0xa: {  	[smem:$0x3FB0] =	sst s2  }
0xb: {  	[smem:$0x3FB1] =	sst s3  }
0xc: {  	[smem:$0x3FB2] =	sst s4  }
0xd: {  	[smem:$0x3FB3] =	sst s5  }
0xe: {  	[smem:$0x3FB4] =	sst s6  }
0xf: {  	[smem:$0x3FB5] =	sst s7  }
0x10: {  	[smem:$0x3FB6] =	sst s8  }
0x11: {  	[smem:$0x3FB7] =	sst s9;
	s0 =	simm.s32 @!p0 $0x0  }
0x12: {  	s1 =	sld [smem:$0x3F9D];
	s0 =	simm.s32 @p0 $0x1  }
0x13: {  	[smem:$0x3FB8] =	sst s0;
	s0 =	simm.s32 @!p1 $0x0  }
0x14: {  	s2 =	sld [smem:$0x3F9C];
	s0 =	simm.s32 @p1 $0x1  }
0x15: {  	[smem:$0x3FB9] =	sst s0;
	s0 =	simm.s32 @!p2 $0x0  }
0x16: {  	s3 =	sld [smem:$0x3FDB];
	s0 =	simm.s32 @p2 $0x1  }
0x17: {  	s4 =	simm.s32 $0x1BF5;
	[smem:$0x3FBB] =	sst s0  }
0x18: {  	s0 =	sld [smem:$0x3F9E];
	_ =	swait.ge [sflag:s4], $0x0  }
0x19: {  	s7 =	sld [smem:$0x3F9F]  }
0x1a: {  	s8 =	sadd.s32 $0xFFFFE003, lr  }
0x1b: {  	s9 =	sadd.s32 $0xFFFFFEF7, lr;
	s5 =	simm.s32 $0xFFFFFFFF;
	p2 =	slt.u32 s8, $0xFFFFF086  }
0x1c: {  	p1 =	slt.u32 s9, $0xF7A;
	s5 =	simm.s32 @!p2 $0x0  }
0x1d: {  	s5 =	simm.s32 @p1 $0x1;
	p0 =	seq.s32 s7, s2  }
0x1e: {  	s7 =	smul.u32 @!p0 $0xF7A, s2;
	p2 =	seq.s32 @!p0 s5, $0x0  }
0x1f: {  	s9 =	smul.u32 $0xF7A, s1;
	s8 =	simm.s32 @!p0 $0x1BF5;
	p2 =	por !p2, p0  }
0x20: {  	[sflag:s8] =	ssyncset.s32 @!p0 $0xFFFFF086;
	s6 =	sadd.s32 @!p0 s3, s7;
	s7 =	simm.s32 @!p0 $0x108  }
0x21: {  	s3 =	sadd.s32 s3, s9;
	s6 =	sadd.s32 @!p0 $0x88, s6;
	s7 =	simm.s32 @p2 $0x1082  }
0x22: {  	[simem:s7], [sflag:s8] =	dma.local @!p0 [hbm:s6], $0xF7A  }
0x23: {  	s9 =	sor.u32 $0xD0000000, s2;
	s6 =	simm.s32 $0x108;
	_ =	swait.ge @!p0 [sflag:s8], $0x0  }
0x24: {  	s3 =	sadd.s32 $0x88, s3;
	s6 =	simm.s32 @!p1 $0x1082;
	[sflag:s4] =	ssyncset.s32 $0xFFFFF086  }
0x25: {  	[simem:s6], [sflag:s4] =	dma.local [hbm:s3], $0xF7A  }
0x26: {  	[smem:$0x3F9F] =	sst s1;
	(tag) =	ssettag s2;
	_ =	strace s9  }
0x27: {  	s1 =	sld [smem:$0x3FAF]  }
0x28: {  	s2 =	sld [smem:$0x3FB0]  }
0x29: {  	s4 =	sld [smem:$0x3FB2]  }
0x2a: {  	p0 =	seq.s32 s5, $0x0;
	s5 =	sld [smem:$0x3FB3]  }
0x2b: {  	s6 =	sld [smem:$0x3FB4]  }
0x2c: {  	s7 =	sld [smem:$0x3FB5]  }
0x2d: {  	s3 =	simm.s32 $0x108;
	s8 =	sld [smem:$0x3FB6]  }
0x2e: {  	s3 =	simm.s32 @!p0 $0x1082;
	s9 =	sld [smem:$0x3FB7]  }
0x2f: {  	lr =	sadd.s32 s0, s3;
	s0 =	sld [smem:$0x3FAE]  }
0x30: {  	s3 =	sld [smem:$0x3FB1]  }
0x31: {  	[smem:$0x3FBA] =	sst s10  }
0x32: {  	s10 =	sld [smem:$0x3FB8];
	_ =	sdelay $0x3  }
0x33: {  	p0 =	seq.s32 s10, $0x1;
	s10 =	sld [smem:$0x3FBA];
	_ =	sdelay $0x3  }
0x34: {  	[smem:$0x3FBA] =	sst s10  }
0x35: {  	s10 =	sld [smem:$0x3FB9];
	_ =	sdelay $0x3  }
0x36: {  	p1 =	seq.s32 s10, $0x1;
	s10 =	sld [smem:$0x3FBA];
	_ =	sdelay $0x3  }
0x37: {  	[smem:$0x3FBA] =	sst s10  }
0x38: {  	s10 =	sld [smem:$0x3FBB]  }
0x39: {  	_ = 	snop;
	(pc) =	sbr.ind lr, $3  }
0x3a: {  	_ = 	snop  }
0x3b: {  	_ = 	snop  }
0x3c: {  	p2 =	seq.s32 s10, $0x1;
	s10 =	sld [smem:$0x3FBA]  }
0x3d: {  	_ =	shalt  }
0x3e: {  	_ =	shalt  }
0x3f: {  	_ =	shalt  }
0x40: {  	_ =	shalt  }
0x41: {  	_ =	shalt  }
0x42: {  	_ =	shalt  }
0x43: {  	_ =	shalt  }
0x44: {  	_ =	shalt  }
0x45: {  	_ =	shalt  }
0x46: {  	_ =	shalt  }
0x47: {  	_ =	shalt  }
0x48: {  	_ =	shalt  }
0x49: {  	_ =	shalt  }
0x4a: {  	_ =	shalt  }
0x4b: {  	_ =	shalt  }
0x4c: {  	_ =	shalt  }
0x4d: {  	_ =	shalt  }
0x4e: {  	_ =	shalt  }
0x4f: {  	_ =	shalt  }
0x50: {  	_ =	shalt  }
0x51: {  	_ =	shalt  }
0x52: {  	_ =	shalt  }
0x53: {  	_ =	shalt  }
0x54: {  	_ =	shalt  }
0x55: {  	_ =	shalt  }
0x56: {  	_ =	shalt  }
0x57: {  	_ =	shalt  }
0x58: {  	_ =	shalt  }
0x59: {  	_ =	shalt  }
0x5a: {  	_ =	shalt  }
0x5b: {  	_ =	shalt  }
0x5c: {  	_ =	shalt  }
0x5d: {  	_ =	shalt  }
0x5e: {  	_ =	shalt  }
0x5f: {  	_ =	shalt  }
0x60: {  	_ =	shalt  }
0x61: {  	_ =	shalt  }
0x62: {  	_ =	shalt  }
0x63: {  	_ =	shalt  }
0x64: {  	_ =	shalt  }
0x65: {  	_ =	shalt  }
0x66: {  	_ =	shalt  }
0x67: {  	_ =	shalt  }
0x68: {  	_ =	shalt  }
0x69: {  	_ =	shalt  }
0x6a: {  	_ =	shalt  }
0x6b: {  	_ =	shalt  }
0x6c: {  	_ =	shalt  }
0x6d: {  	_ =	shalt  }
0x6e: {  	_ =	shalt  }
0x6f: {  	_ =	shalt  }
0x70: {  	_ =	shalt  }
0x71: {  	_ =	shalt  }
0x72: {  	_ =	shalt  }
0x73: {  	_ =	shalt  }
0x74: {  	_ =	shalt  }
0x75: {  	_ =	shalt  }
0x76: {  	_ =	shalt  }
0x77: {  	_ =	shalt  }
0x78: {  	_ =	shalt  }
0x79: {  	_ =	shalt  }
0x7a: {  	_ =	shalt  }
0x7b: {  	_ =	shalt  }
0x7c: {  	_ =	shalt  }
0x7d: {  	_ =	shalt  }
0x7e: {  	_ =	shalt  }
0x7f: {  	_ =	shalt  }
0x80: {  	_ =	shalt  }
0x81: {  	_ =	shalt  }
0x82: {  	_ =	shalt  }
0x83: {  	_ =	shalt  }
0x84: {  	_ =	shalt  }
0x85: {  	_ =	shalt  }
0x86: {  	_ =	shalt  }
0x87: {  	_ =	shalt  }
.Lfunc_end0:
.L_simem_size_0:
called_computation_lowered:
.L_overlay_start_0:
0x88: {  	s2 =	sld [smem:$0x3FD9]  }
0x89: {  	s3 =	sld [smem:$0x3FFE];
	_ =	sdelay $0x1  }
0x8a: {  	s1 =	srdreg.scid  }
0x8b: {  	s0 =	sand.u32 $0x1, s1  }
0x8c: {  	s17 =	sshll.u32 s0, $0xA;
	s2 =	sadd.s32 s3, s2  }
0x8d: {  	s2 =	sadd.s32 s2, s17  }
0x8e: {  	[smem:$0x3FC6] =	sst s2  }
0x8f: {  	_ = 	snop  }
0x90: {  	s2 =	sld [smem:$0x3FC8]  }
0x91: {  	s18 =	sld [smem:$0x3FD0];
	(tm) =	ssettm $0x1  }
0x92: {  	s4 =	sld [smem:$0x3FFB];
	_ =	sdelay $0x3  }
0x93: {  	_ =	strace s4  }
0x94: {  	s4 =	sld [smem:$0x3FFC];
	_ =	sdelay $0x3  }
0x95: {  	_ =	strace s4  }
0x96: {  	s4 =	sld [smem:$0x3FFD];
	_ =	sdelay $0x3  }
0x97: {  	_ =	strace s4  }
0x98: {  	_ =	strace $0x8FFFFFFF  }
0x99: {  	s19 =	sld [smem:$0x3FDB];
	_ =	sdelay $0x1  }
0x9a: {  	s5 =	simm.s32 $_scs_section_size  }
0x9b: {  	s6 =	simm.s32 $_size__tile_overlayer_lowered;
	s7 =	simm.s32 $_tile_overlayer_lowered  }
0x9c: {  	s22 =	simm.s32 $0x1BFF;
	s21 =	sshll.u32 s7, $0x1;
	s4 =	sadd.s32 s5, s19  }
0x9d: {  	s8 =	simm.s32 $0x0;
	s20 =	sshll.u32 s6, $0x1;
	s6 =	sadd.s32 s21, s4  }
0x9e: {  	[timem:s8], [sflag:s22] =	dma.local [hbm:s6], s20  }
0x9f: {  	_ =	swait.ge [sflag:s22], s20  }
0xa0: {  	s5 =	ssub.s32 $0x0, s20;
	[sflag:s22] =	ssyncset.done $0x0  }
0xa1: {  	[sflag:s22] =	ssyncadd.s32 s5;
	_ =	sdelay $0x1  }
0xa2: {  	s23 =	simm.s32 $0x1B8B  }
0xa3: {  	_ =	swait.ge [sflag:s23], $0x1  }
0xa4: {  	[sflag:s23] =	ssyncset.done $0x0  }
0xa5: {  	s25 =	simm.s32 $0x1B8E;
	s24 =	sld [smem:$0x3FFE];
	[sflag:s23] =	ssyncadd.s32 $0xFFFFFFFF  }
0xa6: {  	s26 =	simm.s32 $execute0_lowered;
	[smem:$0x3FD2] =	sst s25  }
0xa7: {  	s6 =	sshll.u32 s26, $0x1;
	_ =	strace $0x80000046;
	[dreg:$0x1] =	wrdreg $0xFFFFFFFF  }
0xa8: {  	s28 =	simm.s32 $_size_execute0_lowered;
	s4 =	sadd.s32 s4, s6;
	[dreg:$0x0] =	wrdreg $0x0  }
0xa9: {  	s6 =	sshll.u32 s28, $0x1;
	[dreg:$0x2] =	wrdreg s4  }
0xaa: {  	[dreg:$0x3] =	wrdreg s6  }
0xab: {  	[dreg:$0x4] =	wrdreg $0xC0  }
0xac: {  	_ =	task [dreg:s8], $0x5FFFF  }
0xad: {  	[dreg:$0x1] =	wrdreg $0xFFFFFFFF  }
0xae: {  	[dreg:$0x0] =	wrdreg $0x60  }
0xaf: {  	[dreg:$0x2] =	wrdreg s24  }
0xb0: {  	[dreg:$0x3] =	wrdreg s2  }
0xb1: {  	[dreg:$0x4] =	wrdreg s18  }
0xb2: {  	[dreg:$0x5] =	wrdreg $0x9  }
0xb3: {  	_ =	task.clear_ibuf [dreg:s8], $0x6FFFF;
	_ =	strace $0x90000046  }
0xb4: {  	s29 =	simm.s32 $0x9;
	_ =	strace $0x80000048  }
0xb5: {  	_ =	swait.ge [sflag:s29], $0x1  }
0xb6: {  	[sflag:s29] =	ssyncadd.s32 $0xFFFFFFFF  }
0xb7: {  	_ =	strace $0x90000048  }
0xb8: {  	_ =	sfence  }
0xb9: {  	s30 =	sld [smem:$0x0];
	_ =	sdelay $0x2  }
0xba: {  	s31 =	sshll.u32 s1, $0xD;
	s1 =	sshrl.u32 s1, $0x2  }
0xbb: {  	s3 =	sand.u32 $0x4000, s31;
	s1 =	sadd.s32 s1, s30  }
0xbc: {  	s0 =	sor.u32 s3, s0;
	s1 =	sshll.u32 s1, $0x11  }
0xbd: {  	s0 =	sor.u32 s1, s0  }
0xbe: {  	s0 =	sadd.s32 $0x8F2B, s0  }
0xbf: {  	[sflag:s0] =	ssyncadd.remote.s32 $0x1  }
0xc0: {  	_ =	sfence.sel $0xFFFF  }
0xc1: {  	[dreg:$0x0] =	wrdreg $0xFFFFFFFF;
	(pc) =	sbr.abs _section_cstart, $3  }
0xc2: {  	[dreg:$0x1] =	wrdreg $0xFFFFFFFF  }
0xc3: {  	_ =	task.clear_ibuf [dreg:s8], $0x2FFFF;
	_ =	strace $0x9FFFFFFF  }
0xc4: {  	(tm) =	ssettm $0x7FFFFFFF  }
0xc5: {  	_ =	shalt  }
tec
execute0_lowered:
.L_overlay_start_1:
0x0: {  	(tag) =	ssettag $0x1  }
0x1: {  	s0 =	rddreg [dreg:$0x0]  }
0x2: {  	s2 =	rddreg [dreg:$0x1]  }
0x3: {  	s1 =	rddreg [dreg:$0x2]  }
0x4: {  	s4 =	srdreg.scid;
	s9 =	stileid.u32  }
0x5: {  	s3 =	simm.s32 $0x0;
	s29 =	simm.s32 $0x6000;
	s11 =	simm.s32 $0xA000  }
0x6: {  	s28 =	simm.s32 $0x11800;
	s30 =	simm.s32 $0x12000;
	s12 =	simm.s32 $0x14000  }
0x7: {  	s13 =	simm.s32 $0x16000;
	s4 =	sand.u32 $0x1, s4;
	s5 =	sshll.u32 s9, $0x1  }
0x8: {  	s31 =	simm.s32 $0x17800;
	[smem:$0x7FF] =	sst s3;
	s5 =	sor.u32 s4, s5  }
0x9: {  	s21 =	sshll.u32 s9, $0x12;
	s7 =	sshll.u32 s5, $0xA;
	s14 =	sshll.u32 s5, $0x11  }
0xa: {  	s9 =	simm.s32 $0x13000;
	s0 =	sadd.s32 s7, s0;
	s10 =	sadd.s32 s1, s14  }
0xb: {  	_ =	strace $0x80000047;
	s0 =	sadd.s32 $0x400, s0;
	[dreg:$0x6] =	wrdreg s10  }
0xc: {  	s6 =	ssub.s32 $0x2, s4;
	s15 =	sadd.s32 $0x800, s10;
	[dreg:$0x5] =	wrdreg s0  }
0xd: {  	s23 =	sshll.u32 s4, $0x11;
	s16 =	sadd.s32 $0x1000, s10;
	[dreg:$0x7] =	wrdreg s15  }
0xe: {  	s8 =	sshrl.u32 s6, $0x1;
	s17 =	sadd.s32 $0x1C800, s10;
	[dreg:$0x8] =	wrdreg s16  }
0xf: {  	s5 =	sadd.s32 $0x100, s2;
	s18 =	sadd.s32 $0x1D000, s10;
	[dreg:$0x9] =	wrdreg s17  }
0x10: {  	s6 =	ssub.s32 s6, s8;
	s19 =	sadd.s32 $0x1D800, s10;
	[dreg:$0xa] =	wrdreg s18  }
0x11: {  	s7 =	sadd.s32 $0x200, s2;
	s20 =	sadd.s32 $0x1E000, s10;
	[dreg:$0xb] =	wrdreg s19  }
0x12: {  	s8 =	sadd.s32 $0x300, s2;
	s22 =	sadd.s32 $0x1E800, s10;
	[dreg:$0xc] =	wrdreg s20  }
0x13: {  	s14 =	simm.s32 $0x15000;
	s24 =	sadd.s32 $0x1F000, s10;
	[dreg:$0xd] =	wrdreg s22  }
0x14: {  	s25 =	sadd.s32 $0x1F800, s10;
	s26 =	smax.u32 s6, $0x1;
	[dreg:$0xe] =	wrdreg s24  }
0x15: {  	s6 =	simm.s32 $0x1;
	s10 =	simm.s32 $0x13800;
	[dreg:$0xf] =	wrdreg s25  }
0x16: {  	s0 =	sadd.s32 s21, s1;
	[dreg:$0x10] =	wrdreg s26;
	s20 =	simm.s32 $0x2000  }
0x17: {  	s19 =	simm.s32 $0xE000;
	s21 =	simm.s32 $0x12800;
	s22 =	simm.s32 $0x14800  }
0x18: {  	s15 =	simm.s32 $0x16800;
	s24 =	simm.s32 $0x17000;
	s16 =	simm.s32 $0x18000  }
0x19: {  	v2 =	vlaneseq.u32;
	s17 =	simm.s32 $0x19000;
	s1 =	simm.s32 $0x19800;
	s18 =	simm.s32 $0x2  }
0x1a: {  	vm0 =	vmmov $0xffff;
	v1 =	vshrl.u32 v2, $0x3;
	s25 =	simm.s32 $0x0;
	s26 =	simm.s32 $0x17000;
	s0 =	sadd.s32 s23, s0  }
0x1b: {  	v0 =	vand.u32 $0x7, v2;
	v2 =	vor.u32 $0x8, v2;
	v1 =	vmul.u32 $0x8, v1;
	s23 =	simm.s32 $0x15800;
	[dreg:$0x4] =	wrdreg s0;
	s0 =	simm.s32 $0x18800  }
.LBB2_1:
0x1c: {  	[dreg:$0x11] =	wrdreg s25  }
0x1d: {  	s4 =	rddreg [dreg:$0x5];
	s25 =	simm.s32 $0x3  }
0x1e: {  	[tilespmem:s3], [sflag:$0x3] =	stream.linear.gather [hbm4b:s4+s3], $0x2000, $0x38;
	[tilespmem:$0x1A000] =	vst v63  }
0x1f: {  	_ =	swait.ge [sflag:s25], $0x2000  }
0x20: {  	[sflag:s25] =	ssyncset.done $0x0  }
0x21: {  	[sflag:s25] =	ssyncadd.s32 $0xFFFFE000  }
0x22: {  	v3 =	vld [tilespmem:$0x0];
	_ =	sdelay $0x4  }
0x23: {  	v4 =	vshll.u32 v3, $0x3  }
0x24: {  	v3 =	vand.u32 $0x7, v3;
	v4 =	vand.u32 $0xFFFFFFC0, v4  }
0x25: {  	v3 =	vor.u32 v3, v4  }
0x26: {  	v4 =	vperm.xlane v3, v0;
	_ =	sdelay $0x1  }
0x27: {  	v4 =	vadd.s32 v1, v4;
	_ =	sdelay $0x4  }
0x28: {  	[tilespmem:s20], [sflag:$0x1] =	stream.indirect_vreg.gather [hbm4b:s2+s3], $0x80, v4, vm0, $0xb8;
	[tilespmem:$0x1A000] =	vst v63  }
0x29: {  	s25 =	simm.s32 $0x2800;
	v3 =	vperm.xlane v3, v2  }
0x2a: {  	[tilespmem:s25], [sflag:$0x1] =	stream.indirect_vreg.gather [hbm4b:s5+s3], $0x80, v4, vm0, $0xb8;
	[tilespmem:$0x1A000] =	vst v63  }
0x2b: {  	v3 =	vadd.s32 v1, v3;
	s25 =	simm.s32 $0x3000  }
0x2c: {  	[tilespmem:s25], [sflag:$0x1] =	stream.indirect_vreg.gather [hbm4b:s7+s3], $0x80, v4, vm0, $0xb8;
	[tilespmem:$0x1A000] =	vst v63  }
0x2d: {  	s25 =	simm.s32 $0x3800  }
0x2e: {  	[tilespmem:s25], [sflag:$0x1] =	stream.indirect_vreg.gather [hbm4b:s8+s3], $0x80, v4, vm0, $0xb8;
	[tilespmem:$0x1A000] =	vst v63  }
0x2f: {  	s25 =	simm.s32 $0x4000  }
0x30: {  	[tilespmem:s25], [sflag:$0x1] =	stream.indirect_vreg.gather [hbm4b:s2+s3], $0x80, v3, vm0, $0xb8;
	[tilespmem:$0x1A000] =	vst v63  }
0x31: {  	s25 =	simm.s32 $0x4800  }
0x32: {  	[tilespmem:s25], [sflag:$0x1] =	stream.indirect_vreg.gather [hbm4b:s5+s3], $0x80, v3, vm0, $0xb8;
	[tilespmem:$0x1A000] =	vst v63  }
0x33: {  	s25 =	simm.s32 $0x5000  }
0x34: {  	[tilespmem:s25], [sflag:$0x1] =	stream.indirect_vreg.gather [hbm4b:s7+s3], $0x80, v3, vm0, $0xb8;
	[tilespmem:$0x1A000] =	vst v63  }
0x35: {  	s25 =	simm.s32 $0x5800  }
0x36: {  	[tilespmem:s25], [sflag:$0x1] =	stream.indirect_vreg.gather [hbm4b:s8+s3], $0x80, v3, vm0, $0xb8;
	[tilespmem:$0x1A000] =	vst v63  }
0x37: {  	v3 =	vld [tilespmem:$0x80];
	_ =	sdelay $0x4  }
0x38: {  	v59 =	vshll.u32 v3, $0x3  }
0x39: {  	v3 =	vand.u32 $0x7, v3;
	v4 =	vand.u32 $0xFFFFFFC0, v59  }
0x3a: {  	v3 =	vor.u32 v3, v4  }
0x3b: {  	v4 =	vperm.xlane v3, v0;
	_ =	sdelay $0x1  }
0x3c: {  	v4 =	vadd.s32 v1, v4;
	_ =	sdelay $0x4  }
0x3d: {  	[tilespmem:s29], [sflag:$0x1] =	stream.indirect_vreg.gather [hbm4b:s2+s3], $0x80, v4, vm0, $0xb8;
	[tilespmem:$0x1A000] =	vst v63  }
0x3e: {  	s25 =	simm.s32 $0x6800;
	v3 =	vperm.xlane v3, v2  }
0x3f: {  	[tilespmem:s25], [sflag:$0x1] =	stream.indirect_vreg.gather [hbm4b:s5+s3], $0x80, v4, vm0, $0xb8;
	[tilespmem:$0x1A000] =	vst v63  }
0x40: {  	v3 =	vadd.s32 v1, v3;
	s25 =	simm.s32 $0x7000  }
0x41: {  	[tilespmem:s25], [sflag:$0x1] =	stream.indirect_vreg.gather [hbm4b:s7+s3], $0x80, v4, vm0, $0xb8;
	[tilespmem:$0x1A000] =	vst v63  }
0x42: {  	s25 =	simm.s32 $0x7800  }
0x43: {  	[tilespmem:s25], [sflag:$0x1] =	stream.indirect_vreg.gather [hbm4b:s8+s3], $0x80, v4, vm0, $0xb8;
	[tilespmem:$0x1A000] =	vst v63  }
0x44: {  	s25 =	simm.s32 $0x8000  }
0x45: {  	[tilespmem:s25], [sflag:$0x1] =	stream.indirect_vreg.gather [hbm4b:s2+s3], $0x80, v3, vm0, $0xb8;
	[tilespmem:$0x1A000] =	vst v63  }
0x46: {  	s25 =	simm.s32 $0x8800  }
0x47: {  	[tilespmem:s25], [sflag:$0x1] =	stream.indirect_vreg.gather [hbm4b:s5+s3], $0x80, v3, vm0, $0xb8;
	[tilespmem:$0x1A000] =	vst v63  }
0x48: {  	s25 =	simm.s32 $0x9000  }
0x49: {  	[tilespmem:s25], [sflag:$0x1] =	stream.indirect_vreg.gather [hbm4b:s7+s3], $0x80, v3, vm0, $0xb8;
	[tilespmem:$0x1A000] =	vst v63  }
0x4a: {  	s25 =	simm.s32 $0x9800  }
0x4b: {  	[tilespmem:s25], [sflag:$0x1] =	stream.indirect_vreg.gather [hbm4b:s8+s3], $0x80, v3, vm0, $0xb8;
	[tilespmem:$0x1A000] =	vst v63  }
0x4c: {  	v3 =	vld [tilespmem:$0x100];
	_ =	sdelay $0x4  }
0x4d: {  	v60 =	vshll.u32 v3, $0x3  }
0x4e: {  	v3 =	vand.u32 $0x7, v3;
	v4 =	vand.u32 $0xFFFFFFC0, v60  }
0x4f: {  	v3 =	vor.u32 v3, v4  }
0x50: {  	v4 =	vperm.xlane v3, v0;
	_ =	sdelay $0x1  }
0x51: {  	v4 =	vadd.s32 v1, v4;
	_ =	sdelay $0x4  }
0x52: {  	[tilespmem:s11], [sflag:$0x1] =	stream.indirect_vreg.gather [hbm4b:s2+s3], $0x80, v4, vm0, $0xb8;
	[tilespmem:$0x1A000] =	vst v63  }
0x53: {  	s25 =	simm.s32 $0xA800;
	v3 =	vperm.xlane v3, v2  }
0x54: {  	[tilespmem:s25], [sflag:$0x1] =	stream.indirect_vreg.gather [hbm4b:s5+s3], $0x80, v4, vm0, $0xb8;
	[tilespmem:$0x1A000] =	vst v63  }
0x55: {  	v3 =	vadd.s32 v1, v3;
	s25 =	simm.s32 $0xB000  }
0x56: {  	[tilespmem:s25], [sflag:$0x1] =	stream.indirect_vreg.gather [hbm4b:s7+s3], $0x80, v4, vm0, $0xb8;
	[tilespmem:$0x1A000] =	vst v63  }
0x57: {  	s25 =	simm.s32 $0xB800  }
0x58: {  	[tilespmem:s25], [sflag:$0x1] =	stream.indirect_vreg.gather [hbm4b:s8+s3], $0x80, v4, vm0, $0xb8;
	[tilespmem:$0x1A000] =	vst v63  }
0x59: {  	s25 =	simm.s32 $0xC000  }
0x5a: {  	[tilespmem:s25], [sflag:$0x1] =	stream.indirect_vreg.gather [hbm4b:s2+s3], $0x80, v3, vm0, $0xb8;
	[tilespmem:$0x1A000] =	vst v63  }
0x5b: {  	s25 =	simm.s32 $0xC800  }
0x5c: {  	[tilespmem:s25], [sflag:$0x1] =	stream.indirect_vreg.gather [hbm4b:s5+s3], $0x80, v3, vm0, $0xb8;
	[tilespmem:$0x1A000] =	vst v63  }
0x5d: {  	s25 =	simm.s32 $0xD000  }
0x5e: {  	[tilespmem:s25], [sflag:$0x1] =	stream.indirect_vreg.gather [hbm4b:s7+s3], $0x80, v3, vm0, $0xb8;
	[tilespmem:$0x1A000] =	vst v63  }
0x5f: {  	s25 =	simm.s32 $0xD800  }
0x60: {  	[tilespmem:s25], [sflag:$0x1] =	stream.indirect_vreg.gather [hbm4b:s8+s3], $0x80, v3, vm0, $0xb8;
	[tilespmem:$0x1A000] =	vst v63  }
0x61: {  	_ =	swait.ge [sflag:s6], $0x4000  }
0x62: {  	[sflag:s6] =	ssyncset.done $0x0  }
0x63: {  	s25 =	rddreg [dreg:$0x6];
	[sflag:s6] =	ssyncadd.s32 $0xFFFFC000  }
0x64: {  	[hbm4b:s25+s3] =	stream.linear.scatter [tilespmem:s20], [sflag:$0x2], $0x4000, $0x38;
	[tilespmem:$0x1A000] =	vst v63  }
0x65: {  	v3 =	vld [tilespmem:$0x180];
	_ =	sdelay $0x4  }
0x66: {  	v61 =	vshll.u32 v3, $0x3  }
0x67: {  	v3 =	vand.u32 $0x7, v3;
	v4 =	vand.u32 $0xFFFFFFC0, v61  }
0x68: {  	v3 =	vor.u32 v3, v4  }
0x69: {  	v4 =	vperm.xlane v3, v0;
	_ =	sdelay $0x1  }
0x6a: {  	v4 =	vadd.s32 v1, v4;
	_ =	sdelay $0x4  }
0x6b: {  	[tilespmem:s19], [sflag:$0x1] =	stream.indirect_vreg.gather [hbm4b:s2+s3], $0x80, v4, vm0, $0xb8;
	[tilespmem:$0x1A000] =	vst v63  }
0x6c: {  	s25 =	simm.s32 $0xE800;
	v3 =	vperm.xlane v3, v2  }
0x6d: {  	[tilespmem:s25], [sflag:$0x1] =	stream.indirect_vreg.gather [hbm4b:s5+s3], $0x80, v4, vm0, $0xb8;
	[tilespmem:$0x1A000] =	vst v63  }
0x6e: {  	v3 =	vadd.s32 v1, v3;
	s25 =	simm.s32 $0xF000  }
0x6f: {  	[tilespmem:s25], [sflag:$0x1] =	stream.indirect_vreg.gather [hbm4b:s7+s3], $0x80, v4, vm0, $0xb8;
	[tilespmem:$0x1A000] =	vst v63  }
0x70: {  	s25 =	simm.s32 $0xF800  }
0x71: {  	[tilespmem:s25], [sflag:$0x1] =	stream.indirect_vreg.gather [hbm4b:s8+s3], $0x80, v4, vm0, $0xb8;
	[tilespmem:$0x1A000] =	vst v63  }
0x72: {  	s25 =	simm.s32 $0x10000  }
0x73: {  	[tilespmem:s25], [sflag:$0x1] =	stream.indirect_vreg.gather [hbm4b:s2+s3], $0x80, v3, vm0, $0xb8;
	[tilespmem:$0x1A000] =	vst v63  }
0x74: {  	s25 =	simm.s32 $0x10800  }
0x75: {  	[tilespmem:s25], [sflag:$0x1] =	stream.indirect_vreg.gather [hbm4b:s5+s3], $0x80, v3, vm0, $0xb8;
	[tilespmem:$0x1A000] =	vst v63  }
0x76: {  	s25 =	simm.s32 $0x11000  }
0x77: {  	[tilespmem:s25], [sflag:$0x1] =	stream.indirect_vreg.gather [hbm4b:s7+s3], $0x80, v3, vm0, $0xb8;
	[tilespmem:$0x1A000] =	vst v63  }
0x78: {  	_ = 	snop  }
0x79: {  	[tilespmem:s28], [sflag:$0x1] =	stream.indirect_vreg.gather [hbm4b:s8+s3], $0x80, v3, vm0, $0xb8;
	[tilespmem:$0x1A000] =	vst v63  }
0x7a: {  	_ =	swait.ge [sflag:s6], $0x4000  }
0x7b: {  	[sflag:s6] =	ssyncset.done $0x0  }
0x7c: {  	s25 =	rddreg [dreg:$0x7];
	[sflag:s6] =	ssyncadd.s32 $0xFFFFC000  }
0x7d: {  	[hbm4b:s25+s3] =	stream.linear.scatter [tilespmem:s29], [sflag:$0x2], $0x4000, $0x38;
	[tilespmem:$0x1A000] =	vst v63  }
0x7e: {  	v3 =	vld [tilespmem:$0x200];
	_ =	sdelay $0x4  }
0x7f: {  	v62 =	vshll.u32 v3, $0x3  }
0x80: {  	v3 =	vand.u32 $0x7, v3;
	v4 =	vand.u32 $0xFFFFFFC0, v62  }
0x81: {  	v3 =	vor.u32 v3, v4  }
0x82: {  	v4 =	vperm.xlane v3, v0;
	_ =	sdelay $0x1  }
0x83: {  	v4 =	vadd.s32 v1, v4;
	_ =	sdelay $0x4  }
0x84: {  	[tilespmem:s30], [sflag:$0x1] =	stream.indirect_vreg.gather [hbm4b:s2+s3], $0x80, v4, vm0, $0xb8;
	[tilespmem:$0x1A000] =	vst v63  }
0x85: {  	v3 =	vperm.xlane v3, v2  }
0x86: {  	[tilespmem:s21], [sflag:$0x1] =	stream.indirect_vreg.gather [hbm4b:s5+s3], $0x80, v4, vm0, $0xb8;
	[tilespmem:$0x1A000] =	vst v63  }
0x87: {  	v3 =	vadd.s32 v1, v3  }
0x88: {  	[tilespmem:s9], [sflag:$0x1] =	stream.indirect_vreg.gather [hbm4b:s7+s3], $0x80, v4, vm0, $0xb8;
	[tilespmem:$0x1A000] =	vst v63  }
0x89: {  	_ = 	snop  }
0x8a: {  	[tilespmem:s10], [sflag:$0x1] =	stream.indirect_vreg.gather [hbm4b:s8+s3], $0x80, v4, vm0, $0xb8;
	[tilespmem:$0x1A000] =	vst v63  }
0x8b: {  	_ = 	snop  }
0x8c: {  	[tilespmem:s12], [sflag:$0x1] =	stream.indirect_vreg.gather [hbm4b:s2+s3], $0x80, v3, vm0, $0xb8;
	[tilespmem:$0x1A000] =	vst v63  }
0x8d: {  	_ = 	snop  }
0x8e: {  	[tilespmem:s22], [sflag:$0x1] =	stream.indirect_vreg.gather [hbm4b:s5+s3], $0x80, v3, vm0, $0xb8;
	[tilespmem:$0x1A000] =	vst v63  }
0x8f: {  	_ = 	snop  }
0x90: {  	[tilespmem:s14], [sflag:$0x1] =	stream.indirect_vreg.gather [hbm4b:s7+s3], $0x80, v3, vm0, $0xb8;
	[tilespmem:$0x1A000] =	vst v63  }
0x91: {  	_ = 	snop  }
0x92: {  	[tilespmem:s23], [sflag:$0x1] =	stream.indirect_vreg.gather [hbm4b:s8+s3], $0x80, v3, vm0, $0xb8;
	[tilespmem:$0x1A000] =	vst v63  }
0x93: {  	_ =	swait.ge [sflag:s6], $0x4000  }
0x94: {  	[sflag:s6] =	ssyncset.done $0x0  }
0x95: {  	s25 =	rddreg [dreg:$0x8];
	[sflag:s6] =	ssyncadd.s32 $0xFFFFC000  }
0x96: {  	[hbm4b:s25+s3] =	stream.linear.scatter [tilespmem:s11], [sflag:$0x2], $0x4000, $0x38;
	[tilespmem:$0x1A000] =	vst v63  }
0x97: {  	v3 =	vld [tilespmem:$0x280];
	_ =	sdelay $0x4  }
0x98: {  	v63 =	vshll.u32 v3, $0x3  }
0x99: {  	v3 =	vand.u32 $0x7, v3;
	v4 =	vand.u32 $0xFFFFFFC0, v63  }
0x9a: {  	v3 =	vor.u32 v3, v4  }
0x9b: {  	v4 =	vperm.xlane v3, v0;
	_ =	sdelay $0x1  }
0x9c: {  	v4 =	vadd.s32 v1, v4;
	_ =	sdelay $0x4  }
0x9d: {  	[tilespmem:s13], [sflag:$0x1] =	stream.indirect_vreg.gather [hbm4b:s2+s3], $0x80, v4, vm0, $0xb8;
	[tilespmem:$0x1A000] =	vst v63  }
0x9e: {  	v3 =	vperm.xlane v3, v2  }
0x9f: {  	[tilespmem:s15], [sflag:$0x1] =	stream.indirect_vreg.gather [hbm4b:s5+s3], $0x80, v4, vm0, $0xb8;
	[tilespmem:$0x1A000] =	vst v63  }
0xa0: {  	v3 =	vadd.s32 v1, v3  }
0xa1: {  	[tilespmem:s24], [sflag:$0x1] =	stream.indirect_vreg.gather [hbm4b:s7+s3], $0x80, v4, vm0, $0xb8;
	[tilespmem:$0x1A000] =	vst v63  }
0xa2: {  	_ = 	snop  }
0xa3: {  	[tilespmem:s31], [sflag:$0x1] =	stream.indirect_vreg.gather [hbm4b:s8+s3], $0x80, v4, vm0, $0xb8;
	[tilespmem:$0x1A000] =	vst v63  }
0xa4: {  	_ = 	snop  }
0xa5: {  	[tilespmem:s16], [sflag:$0x1] =	stream.indirect_vreg.gather [hbm4b:s2+s3], $0x80, v3, vm0, $0xb8;
	[tilespmem:$0x1A000] =	vst v63  }
0xa6: {  	s4 =	simm.s32 $0x580;
	s9 =	simm.s32 $0x0;
	s12 =	simm.s32 $0x13000  }
0xa7: {  	[tilespmem:s0], [sflag:$0x1] =	stream.indirect_vreg.gather [hbm4b:s5+s3], $0x80, v3, vm0, $0xb8;
	[tilespmem:$0x1A000] =	vst v63  }
0xa8: {  	s22 =	simm.s32 $0x13800;
	s14 =	simm.s32 $0x15000;
	s23 =	simm.s32 $0x14000  }
0xa9: {  	[tilespmem:s17], [sflag:$0x1] =	stream.indirect_vreg.gather [hbm4b:s7+s3], $0x80, v3, vm0, $0xb8;
	[tilespmem:$0x1A000] =	vst v63  }
0xaa: {  	s25 =	simm.s32 $0x15800;
	s15 =	simm.s32 $0x16800;
	s24 =	simm.s32 $0x14800  }
0xab: {  	[tilespmem:s1], [sflag:$0x1] =	stream.indirect_vreg.gather [hbm4b:s8+s3], $0x80, v3, vm0, $0xb8;
	[tilespmem:$0x1A000] =	vst v63  }
.LBB2_2:
0xac: {  	_ =	swait.ge [sflag:s6], $0x4000  }
0xad: {  	s10 =	rddreg [dreg:$0x4]  }
0xae: {  	[sflag:s6] =	ssyncset.done $0x0;
	s10 =	sadd.s32 s9, s10  }
0xaf: {  	[sflag:s6] =	ssyncadd.s32 $0xFFFFC000;
	s21 =	sadd.s32 $0x1800, s10  }
0xb0: {  	[hbm4b:s21+s3] =	stream.linear.scatter [tilespmem:s19], [sflag:$0x2], $0x4000, $0x38;
	[tilespmem:$0x1A000] =	vst v63  }
0xb1: {  	_ =	swait.ge [sflag:s18], $0x4000  }
0xb2: {  	[sflag:s18] =	ssyncset.done $0x0  }
0xb3: {  	[sflag:s18] =	ssyncadd.s32 $0xFFFFC000  }
0xb4: {  	v3 =	vld [tilespmem:s4+$0xFFFFFD80];
	_ =	sdelay $0x4  }
0xb5: {  	v4 =	vshll.u32 v3, $0x3  }
0xb6: {  	v3 =	vand.u32 $0x7, v3;
	v4 =	vand.u32 $0xFFFFFFC0, v4  }
0xb7: {  	v3 =	vor.u32 v3, v4  }
0xb8: {  	v4 =	vperm.xlane v3, v0;
	_ =	sdelay $0x1  }
0xb9: {  	v4 =	vadd.s32 v1, v4;
	_ =	sdelay $0x4  }
0xba: {  	[tilespmem:s20], [sflag:$0x1] =	stream.indirect_vreg.gather [hbm4b:s2+s3], $0x80, v4, vm0, $0xb8;
	[tilespmem:$0x1A000] =	vst v63  }
0xbb: {  	s21 =	simm.s32 $0x2800;
	v3 =	vperm.xlane v3, v2  }
0xbc: {  	[tilespmem:s21], [sflag:$0x1] =	stream.indirect_vreg.gather [hbm4b:s5+s3], $0x80, v4, vm0, $0xb8;
	[tilespmem:$0x1A000] =	vst v63  }
0xbd: {  	v3 =	vadd.s32 v1, v3;
	s21 =	simm.s32 $0x3000  }
0xbe: {  	[tilespmem:s21], [sflag:$0x1] =	stream.indirect_vreg.gather [hbm4b:s7+s3], $0x80, v4, vm0, $0xb8;
	[tilespmem:$0x1A000] =	vst v63  }
0xbf: {  	s21 =	simm.s32 $0x3800  }
0xc0: {  	[tilespmem:s21], [sflag:$0x1] =	stream.indirect_vreg.gather [hbm4b:s8+s3], $0x80, v4, vm0, $0xb8;
	[tilespmem:$0x1A000] =	vst v63  }
0xc1: {  	s21 =	simm.s32 $0x4000  }
0xc2: {  	[tilespmem:s21], [sflag:$0x1] =	stream.indirect_vreg.gather [hbm4b:s2+s3], $0x80, v3, vm0, $0xb8;
	[tilespmem:$0x1A000] =	vst v63  }
0xc3: {  	s21 =	simm.s32 $0x4800  }
0xc4: {  	[tilespmem:s21], [sflag:$0x1] =	stream.indirect_vreg.gather [hbm4b:s5+s3], $0x80, v3, vm0, $0xb8;
	[tilespmem:$0x1A000] =	vst v63  }
0xc5: {  	s21 =	simm.s32 $0x5000  }
0xc6: {  	[tilespmem:s21], [sflag:$0x1] =	stream.indirect_vreg.gather [hbm4b:s7+s3], $0x80, v3, vm0, $0xb8;
	[tilespmem:$0x1A000] =	vst v63  }
0xc7: {  	s21 =	simm.s32 $0x5800  }
0xc8: {  	[tilespmem:s21], [sflag:$0x1] =	stream.indirect_vreg.gather [hbm4b:s8+s3], $0x80, v3, vm0, $0xb8;
	[tilespmem:$0x1A000] =	vst v63  }
0xc9: {  	_ =	swait.ge [sflag:s6], $0x4000  }
0xca: {  	[sflag:s6] =	ssyncset.done $0x0  }
0xcb: {  	s21 =	sadd.s32 $0x2000, s10;
	[sflag:s6] =	ssyncadd.s32 $0xFFFFC000  }
0xcc: {  	[hbm4b:s21+s3] =	stream.linear.scatter [tilespmem:s30], [sflag:$0x2], $0x4000, $0x38;
	[tilespmem:$0x1A000] =	vst v63  }
0xcd: {  	_ =	swait.ge [sflag:s18], $0x4000  }
0xce: {  	[sflag:s18] =	ssyncset.done $0x0  }
0xcf: {  	[sflag:s18] =	ssyncadd.s32 $0xFFFFC000  }
0xd0: {  	v3 =	vld [tilespmem:s4+$0xFFFFFE00];
	_ =	sdelay $0x4  }
0xd1: {  	v59 =	vshll.u32 v3, $0x3  }
0xd2: {  	v3 =	vand.u32 $0x7, v3;
	v4 =	vand.u32 $0xFFFFFFC0, v59  }
0xd3: {  	v3 =	vor.u32 v3, v4  }
0xd4: {  	v4 =	vperm.xlane v3, v0;
	_ =	sdelay $0x1  }
0xd5: {  	v4 =	vadd.s32 v1, v4;
	_ =	sdelay $0x4  }
0xd6: {  	[tilespmem:s29], [sflag:$0x1] =	stream.indirect_vreg.gather [hbm4b:s2+s3], $0x80, v4, vm0, $0xb8;
	[tilespmem:$0x1A000] =	vst v63  }
0xd7: {  	s21 =	simm.s32 $0x6800;
	v3 =	vperm.xlane v3, v2  }
0xd8: {  	[tilespmem:s21], [sflag:$0x1] =	stream.indirect_vreg.gather [hbm4b:s5+s3], $0x80, v4, vm0, $0xb8;
	[tilespmem:$0x1A000] =	vst v63  }
0xd9: {  	v3 =	vadd.s32 v1, v3;
	s21 =	simm.s32 $0x7000  }
0xda: {  	[tilespmem:s21], [sflag:$0x1] =	stream.indirect_vreg.gather [hbm4b:s7+s3], $0x80, v4, vm0, $0xb8;
	[tilespmem:$0x1A000] =	vst v63  }
0xdb: {  	s21 =	simm.s32 $0x7800  }
0xdc: {  	[tilespmem:s21], [sflag:$0x1] =	stream.indirect_vreg.gather [hbm4b:s8+s3], $0x80, v4, vm0, $0xb8;
	[tilespmem:$0x1A000] =	vst v63  }
0xdd: {  	s21 =	simm.s32 $0x8000  }
0xde: {  	[tilespmem:s21], [sflag:$0x1] =	stream.indirect_vreg.gather [hbm4b:s2+s3], $0x80, v3, vm0, $0xb8;
	[tilespmem:$0x1A000] =	vst v63  }
0xdf: {  	s21 =	simm.s32 $0x8800  }
0xe0: {  	[tilespmem:s21], [sflag:$0x1] =	stream.indirect_vreg.gather [hbm4b:s5+s3], $0x80, v3, vm0, $0xb8;
	[tilespmem:$0x1A000] =	vst v63  }
0xe1: {  	s21 =	simm.s32 $0x9000  }
0xe2: {  	[tilespmem:s21], [sflag:$0x1] =	stream.indirect_vreg.gather [hbm4b:s7+s3], $0x80, v3, vm0, $0xb8;
	[tilespmem:$0x1A000] =	vst v63  }
0xe3: {  	s21 =	simm.s32 $0x9800  }
0xe4: {  	[tilespmem:s21], [sflag:$0x1] =	stream.indirect_vreg.gather [hbm4b:s8+s3], $0x80, v3, vm0, $0xb8;
	[tilespmem:$0x1A000] =	vst v63  }
0xe5: {  	_ =	swait.ge [sflag:s6], $0x4000  }
0xe6: {  	[sflag:s6] =	ssyncset.done $0x0  }
0xe7: {  	s21 =	sadd.s32 $0x2800, s10;
	[sflag:s6] =	ssyncadd.s32 $0xFFFFC000  }
0xe8: {  	[hbm4b:s21+s3] =	stream.linear.scatter [tilespmem:s13], [sflag:$0x2], $0x4000, $0x38;
	[tilespmem:$0x1A000] =	vst v63  }
0xe9: {  	_ =	swait.ge [sflag:s18], $0x4000  }
0xea: {  	[sflag:s18] =	ssyncset.done $0x0  }
0xeb: {  	[sflag:s18] =	ssyncadd.s32 $0xFFFFC000  }
0xec: {  	v3 =	vld [tilespmem:s4+$0xFFFFFE80];
	_ =	sdelay $0x4  }
0xed: {  	v60 =	vshll.u32 v3, $0x3  }
0xee: {  	v3 =	vand.u32 $0x7, v3;
	v4 =	vand.u32 $0xFFFFFFC0, v60  }
0xef: {  	v3 =	vor.u32 v3, v4  }
0xf0: {  	v4 =	vperm.xlane v3, v0;
	_ =	sdelay $0x1  }
0xf1: {  	v4 =	vadd.s32 v1, v4;
	_ =	sdelay $0x4  }
0xf2: {  	[tilespmem:s11], [sflag:$0x1] =	stream.indirect_vreg.gather [hbm4b:s2+s3], $0x80, v4, vm0, $0xb8;
	[tilespmem:$0x1A000] =	vst v63  }
0xf3: {  	s21 =	simm.s32 $0xA800;
	v3 =	vperm.xlane v3, v2  }
0xf4: {  	[tilespmem:s21], [sflag:$0x1] =	stream.indirect_vreg.gather [hbm4b:s5+s3], $0x80, v4, vm0, $0xb8;
	[tilespmem:$0x1A000] =	vst v63  }
0xf5: {  	v3 =	vadd.s32 v1, v3;
	s21 =	simm.s32 $0xB000  }
0xf6: {  	[tilespmem:s21], [sflag:$0x1] =	stream.indirect_vreg.gather [hbm4b:s7+s3], $0x80, v4, vm0, $0xb8;
	[tilespmem:$0x1A000] =	vst v63  }
0xf7: {  	s21 =	simm.s32 $0xB800  }
0xf8: {  	[tilespmem:s21], [sflag:$0x1] =	stream.indirect_vreg.gather [hbm4b:s8+s3], $0x80, v4, vm0, $0xb8;
	[tilespmem:$0x1A000] =	vst v63  }
0xf9: {  	s21 =	simm.s32 $0xC000  }
0xfa: {  	[tilespmem:s21], [sflag:$0x1] =	stream.indirect_vreg.gather [hbm4b:s2+s3], $0x80, v3, vm0, $0xb8;
	[tilespmem:$0x1A000] =	vst v63  }
0xfb: {  	s21 =	simm.s32 $0xC800  }
0xfc: {  	[tilespmem:s21], [sflag:$0x1] =	stream.indirect_vreg.gather [hbm4b:s5+s3], $0x80, v3, vm0, $0xb8;
	[tilespmem:$0x1A000] =	vst v63  }
0xfd: {  	s21 =	simm.s32 $0xD000  }
0xfe: {  	[tilespmem:s21], [sflag:$0x1] =	stream.indirect_vreg.gather [hbm4b:s7+s3], $0x80, v3, vm0, $0xb8;
	[tilespmem:$0x1A000] =	vst v63  }
0xff: {  	s21 =	simm.s32 $0xD800  }
0x100: {  	[tilespmem:s21], [sflag:$0x1] =	stream.indirect_vreg.gather [hbm4b:s8+s3], $0x80, v3, vm0, $0xb8;
	[tilespmem:$0x1A000] =	vst v63  }
0x101: {  	_ =	swait.ge [sflag:s6], $0x4000  }
0x102: {  	[sflag:s6] =	ssyncset.done $0x0  }
0x103: {  	s21 =	sadd.s32 $0x3000, s10;
	[sflag:s6] =	ssyncadd.s32 $0xFFFFC000  }
0x104: {  	[hbm4b:s21+s3] =	stream.linear.scatter [tilespmem:s20], [sflag:$0x2], $0x4000, $0x38;
	[tilespmem:$0x1A000] =	vst v63  }
0x105: {  	_ =	swait.ge [sflag:s18], $0x4000  }
0x106: {  	[sflag:s18] =	ssyncset.done $0x0  }
0x107: {  	[sflag:s18] =	ssyncadd.s32 $0xFFFFC000  }
0x108: {  	v3 =	vld [tilespmem:s4+$0xFFFFFF00];
	_ =	sdelay $0x4  }
0x109: {  	v61 =	vshll.u32 v3, $0x3  }
0x10a: {  	v3 =	vand.u32 $0x7, v3;
	v4 =	vand.u32 $0xFFFFFFC0, v61  }
0x10b: {  	v3 =	vor.u32 v3, v4  }
0x10c: {  	v4 =	vperm.xlane v3, v0;
	_ =	sdelay $0x1  }
0x10d: {  	v4 =	vadd.s32 v1, v4;
	_ =	sdelay $0x4  }
0x10e: {  	[tilespmem:s19], [sflag:$0x1] =	stream.indirect_vreg.gather [hbm4b:s2+s3], $0x80, v4, vm0, $0xb8;
	[tilespmem:$0x1A000] =	vst v63  }
0x10f: {  	s21 =	simm.s32 $0xE800;
	v3 =	vperm.xlane v3, v2  }
0x110: {  	[tilespmem:s21], [sflag:$0x1] =	stream.indirect_vreg.gather [hbm4b:s5+s3], $0x80, v4, vm0, $0xb8;
	[tilespmem:$0x1A000] =	vst v63  }
0x111: {  	v3 =	vadd.s32 v1, v3;
	s21 =	simm.s32 $0xF000  }
0x112: {  	[tilespmem:s21], [sflag:$0x1] =	stream.indirect_vreg.gather [hbm4b:s7+s3], $0x80, v4, vm0, $0xb8;
	[tilespmem:$0x1A000] =	vst v63  }
0x113: {  	s21 =	simm.s32 $0xF800  }
0x114: {  	[tilespmem:s21], [sflag:$0x1] =	stream.indirect_vreg.gather [hbm4b:s8+s3], $0x80, v4, vm0, $0xb8;
	[tilespmem:$0x1A000] =	vst v63  }
0x115: {  	s21 =	simm.s32 $0x10000  }
0x116: {  	[tilespmem:s21], [sflag:$0x1] =	stream.indirect_vreg.gather [hbm4b:s2+s3], $0x80, v3, vm0, $0xb8;
	[tilespmem:$0x1A000] =	vst v63  }
0x117: {  	s21 =	simm.s32 $0x10800  }
0x118: {  	[tilespmem:s21], [sflag:$0x1] =	stream.indirect_vreg.gather [hbm4b:s5+s3], $0x80, v3, vm0, $0xb8;
	[tilespmem:$0x1A000] =	vst v63  }
0x119: {  	s21 =	simm.s32 $0x11000  }
0x11a: {  	[tilespmem:s21], [sflag:$0x1] =	stream.indirect_vreg.gather [hbm4b:s7+s3], $0x80, v3, vm0, $0xb8;
	[tilespmem:$0x1A000] =	vst v63  }
0x11b: {  	_ = 	snop  }
0x11c: {  	[tilespmem:s28], [sflag:$0x1] =	stream.indirect_vreg.gather [hbm4b:s8+s3], $0x80, v3, vm0, $0xb8;
	[tilespmem:$0x1A000] =	vst v63  }
0x11d: {  	_ =	swait.ge [sflag:s6], $0x4000  }
0x11e: {  	[sflag:s6] =	ssyncset.done $0x0  }
0x11f: {  	s21 =	sadd.s32 $0x3800, s10;
	[sflag:s6] =	ssyncadd.s32 $0xFFFFC000  }
0x120: {  	[hbm4b:s21+s3] =	stream.linear.scatter [tilespmem:s29], [sflag:$0x2], $0x4000, $0x38;
	[tilespmem:$0x1A000] =	vst v63  }
0x121: {  	_ =	swait.ge [sflag:s18], $0x4000  }
0x122: {  	[sflag:s18] =	ssyncset.done $0x0  }
0x123: {  	[sflag:s18] =	ssyncadd.s32 $0xFFFFC000  }
0x124: {  	v3 =	vld [tilespmem:s4+$0xFFFFFF80];
	_ =	sdelay $0x4  }
0x125: {  	v62 =	vshll.u32 v3, $0x3  }
0x126: {  	v3 =	vand.u32 $0x7, v3;
	v4 =	vand.u32 $0xFFFFFFC0, v62  }
0x127: {  	v3 =	vor.u32 v3, v4  }
0x128: {  	v4 =	vperm.xlane v3, v0;
	_ =	sdelay $0x1  }
0x129: {  	v4 =	vadd.s32 v1, v4;
	_ =	sdelay $0x4  }
0x12a: {  	[tilespmem:s30], [sflag:$0x1] =	stream.indirect_vreg.gather [hbm4b:s2+s3], $0x80, v4, vm0, $0xb8;
	[tilespmem:$0x1A000] =	vst v63  }
0x12b: {  	s21 =	simm.s32 $0x12800;
	v3 =	vperm.xlane v3, v2  }
0x12c: {  	[tilespmem:s21], [sflag:$0x1] =	stream.indirect_vreg.gather [hbm4b:s5+s3], $0x80, v4, vm0, $0xb8;
	[tilespmem:$0x1A000] =	vst v63  }
0x12d: {  	v3 =	vadd.s32 v1, v3  }
0x12e: {  	[tilespmem:s12], [sflag:$0x1] =	stream.indirect_vreg.gather [hbm4b:s7+s3], $0x80, v4, vm0, $0xb8;
	[tilespmem:$0x1A000] =	vst v63  }
0x12f: {  	_ = 	snop  }
0x130: {  	[tilespmem:s22], [sflag:$0x1] =	stream.indirect_vreg.gather [hbm4b:s8+s3], $0x80, v4, vm0, $0xb8;
	[tilespmem:$0x1A000] =	vst v63  }
0x131: {  	_ = 	snop  }
0x132: {  	[tilespmem:s23], [sflag:$0x1] =	stream.indirect_vreg.gather [hbm4b:s2+s3], $0x80, v3, vm0, $0xb8;
	[tilespmem:$0x1A000] =	vst v63  }
0x133: {  	_ = 	snop  }
0x134: {  	[tilespmem:s24], [sflag:$0x1] =	stream.indirect_vreg.gather [hbm4b:s5+s3], $0x80, v3, vm0, $0xb8;
	[tilespmem:$0x1A000] =	vst v63  }
0x135: {  	_ = 	snop  }
0x136: {  	[tilespmem:s14], [sflag:$0x1] =	stream.indirect_vreg.gather [hbm4b:s7+s3], $0x80, v3, vm0, $0xb8;
	[tilespmem:$0x1A000] =	vst v63  }
0x137: {  	_ = 	snop  }
0x138: {  	[tilespmem:s25], [sflag:$0x1] =	stream.indirect_vreg.gather [hbm4b:s8+s3], $0x80, v3, vm0, $0xb8;
	[tilespmem:$0x1A000] =	vst v63  }
0x139: {  	_ =	swait.ge [sflag:s6], $0x4000  }
0x13a: {  	[sflag:s6] =	ssyncset.done $0x0  }
0x13b: {  	s10 =	sadd.s32 $0x4000, s10;
	[sflag:s6] =	ssyncadd.s32 $0xFFFFC000  }
0x13c: {  	[hbm4b:s10+s3] =	stream.linear.scatter [tilespmem:s11], [sflag:$0x2], $0x4000, $0x38;
	[tilespmem:$0x1A000] =	vst v63  }
0x13d: {  	_ =	swait.ge [sflag:s18], $0x4000  }
0x13e: {  	[sflag:s18] =	ssyncset.done $0x0  }
0x13f: {  	[sflag:s18] =	ssyncadd.s32 $0xFFFFC000  }
0x140: {  	v3 =	vld [tilespmem:s4+$0x0];
	_ =	sdelay $0x4  }
0x141: {  	v63 =	vshll.u32 v3, $0x3  }
0x142: {  	v3 =	vand.u32 $0x7, v3;
	v4 =	vand.u32 $0xFFFFFFC0, v63  }
0x143: {  	v3 =	vor.u32 v3, v4  }
0x144: {  	v4 =	vperm.xlane v3, v0;
	_ =	sdelay $0x1  }
0x145: {  	v4 =	vadd.s32 v1, v4;
	_ =	sdelay $0x4  }
0x146: {  	[tilespmem:s13], [sflag:$0x1] =	stream.indirect_vreg.gather [hbm4b:s2+s3], $0x80, v4, vm0, $0xb8;
	[tilespmem:$0x1A000] =	vst v63  }
0x147: {  	v3 =	vperm.xlane v3, v2  }
0x148: {  	[tilespmem:s15], [sflag:$0x1] =	stream.indirect_vreg.gather [hbm4b:s5+s3], $0x80, v4, vm0, $0xb8;
	[tilespmem:$0x1A000] =	vst v63  }
0x149: {  	v3 =	vadd.s32 v1, v3  }
0x14a: {  	[tilespmem:s26], [sflag:$0x1] =	stream.indirect_vreg.gather [hbm4b:s7+s3], $0x80, v4, vm0, $0xb8;
	[tilespmem:$0x1A000] =	vst v63  }
0x14b: {  	_ = 	snop  }
0x14c: {  	[tilespmem:s31], [sflag:$0x1] =	stream.indirect_vreg.gather [hbm4b:s8+s3], $0x80, v4, vm0, $0xb8;
	[tilespmem:$0x1A000] =	vst v63  }
0x14d: {  	_ = 	snop  }
0x14e: {  	[tilespmem:s16], [sflag:$0x1] =	stream.indirect_vreg.gather [hbm4b:s2+s3], $0x80, v3, vm0, $0xb8;
	[tilespmem:$0x1A000] =	vst v63  }
0x14f: {  	p0 =	sne.s32 s9, $0x18000  }
0x150: {  	[tilespmem:s0], [sflag:$0x1] =	stream.indirect_vreg.gather [hbm4b:s5+s3], $0x80, v3, vm0, $0xb8;
	[tilespmem:$0x1A000] =	vst v63  }
.Ltmp0:
0x151: {  	_ = 	snop;
	(pc) =	sbr.rel @p0 .LBB2_2-.Ltmp0, $4  }
0x152: {  	_ = 	snop  }
0x153: {  	[tilespmem:s17], [sflag:$0x1] =	stream.indirect_vreg.gather [hbm4b:s7+s3], $0x80, v3, vm0, $0xb8;
	[tilespmem:$0x1A000] =	vst v63  }
0x154: {  	s9 =	sadd.s32 $0x3000, s9;
	s4 =	sadd.s32 $0x300, s4  }
0x155: {  	[tilespmem:s1], [sflag:$0x1] =	stream.indirect_vreg.gather [hbm4b:s8+s3], $0x80, v3, vm0, $0xb8;
	[tilespmem:$0x1A000] =	vst v63  }
0x156: {  	_ =	swait.ge [sflag:s6], $0x4000  }
0x157: {  	[sflag:s6] =	ssyncset.done $0x0  }
0x158: {  	s4 =	rddreg [dreg:$0x9];
	[sflag:s6] =	ssyncadd.s32 $0xFFFFC000  }
0x159: {  	[hbm4b:s4+s3] =	stream.linear.scatter [tilespmem:s19], [sflag:$0x2], $0x4000, $0x38;
	[tilespmem:$0x1A000] =	vst v63  }
0x15a: {  	_ =	swait.ge [sflag:s18], $0x4000  }
0x15b: {  	[sflag:s18] =	ssyncset.done $0x0  }
0x15c: {  	[sflag:s18] =	ssyncadd.s32 $0xFFFFC000  }
0x15d: {  	v3 =	vld [tilespmem:$0x1E00];
	_ =	sdelay $0x4  }
0x15e: {  	v4 =	vshll.u32 v3, $0x3  }
0x15f: {  	v3 =	vand.u32 $0x7, v3;
	v4 =	vand.u32 $0xFFFFFFC0, v4  }
0x160: {  	v3 =	vor.u32 v3, v4  }
0x161: {  	v4 =	vperm.xlane v3, v0;
	_ =	sdelay $0x1  }
0x162: {  	v4 =	vadd.s32 v1, v4;
	_ =	sdelay $0x4  }
0x163: {  	[tilespmem:s20], [sflag:$0x1] =	stream.indirect_vreg.gather [hbm4b:s2+s3], $0x80, v4, vm0, $0xb8;
	[tilespmem:$0x1A000] =	vst v63  }
0x164: {  	s10 =	simm.s32 $0x2800;
	v3 =	vperm.xlane v3, v2  }
0x165: {  	[tilespmem:s10], [sflag:$0x1] =	stream.indirect_vreg.gather [hbm4b:s5+s3], $0x80, v4, vm0, $0xb8;
	[tilespmem:$0x1A000] =	vst v63  }
0x166: {  	s12 =	simm.s32 $0x3000;
	v3 =	vadd.s32 v1, v3  }
0x167: {  	[tilespmem:s12], [sflag:$0x1] =	stream.indirect_vreg.gather [hbm4b:s7+s3], $0x80, v4, vm0, $0xb8;
	[tilespmem:$0x1A000] =	vst v63  }
0x168: {  	s14 =	simm.s32 $0x3800  }
0x169: {  	[tilespmem:s14], [sflag:$0x1] =	stream.indirect_vreg.gather [hbm4b:s8+s3], $0x80, v4, vm0, $0xb8;
	[tilespmem:$0x1A000] =	vst v63  }
0x16a: {  	s15 =	simm.s32 $0x4000  }
0x16b: {  	[tilespmem:s15], [sflag:$0x1] =	stream.indirect_vreg.gather [hbm4b:s2+s3], $0x80, v3, vm0, $0xb8;
	[tilespmem:$0x1A000] =	vst v63  }
0x16c: {  	s22 =	simm.s32 $0x4800  }
0x16d: {  	[tilespmem:s22], [sflag:$0x1] =	stream.indirect_vreg.gather [hbm4b:s5+s3], $0x80, v3, vm0, $0xb8;
	[tilespmem:$0x1A000] =	vst v63  }
0x16e: {  	s23 =	simm.s32 $0x5000  }
0x16f: {  	[tilespmem:s23], [sflag:$0x1] =	stream.indirect_vreg.gather [hbm4b:s7+s3], $0x80, v3, vm0, $0xb8;
	[tilespmem:$0x1A000] =	vst v63  }
0x170: {  	s24 =	simm.s32 $0x5800  }
0x171: {  	[tilespmem:s24], [sflag:$0x1] =	stream.indirect_vreg.gather [hbm4b:s8+s3], $0x80, v3, vm0, $0xb8;
	[tilespmem:$0x1A000] =	vst v63  }
0x172: {  	_ =	swait.ge [sflag:s6], $0x4000  }
0x173: {  	[sflag:s6] =	ssyncset.done $0x0  }
0x174: {  	s25 =	rddreg [dreg:$0xa];
	[sflag:s6] =	ssyncadd.s32 $0xFFFFC000  }
0x175: {  	[hbm4b:s25+s3] =	stream.linear.scatter [tilespmem:s30], [sflag:$0x2], $0x4000, $0x38;
	[tilespmem:$0x1A000] =	vst v63  }
0x176: {  	_ =	swait.ge [sflag:s18], $0x4000  }
0x177: {  	[sflag:s18] =	ssyncset.done $0x0  }
0x178: {  	[sflag:s18] =	ssyncadd.s32 $0xFFFFC000  }
0x179: {  	v3 =	vld [tilespmem:$0x1E80];
	_ =	sdelay $0x4  }
0x17a: {  	v61 =	vshll.u32 v3, $0x3  }
0x17b: {  	v3 =	vand.u32 $0x7, v3;
	v4 =	vand.u32 $0xFFFFFFC0, v61  }
0x17c: {  	v3 =	vor.u32 v3, v4  }
0x17d: {  	v4 =	vperm.xlane v3, v0;
	_ =	sdelay $0x1  }
0x17e: {  	v4 =	vadd.s32 v1, v4;
	_ =	sdelay $0x4  }
0x17f: {  	[tilespmem:s29], [sflag:$0x1] =	stream.indirect_vreg.gather [hbm4b:s2+s3], $0x80, v4, vm0, $0xb8;
	[tilespmem:$0x1A000] =	vst v63  }
0x180: {  	s9 =	simm.s32 $0x6800;
	v3 =	vperm.xlane v3, v2  }
0x181: {  	[tilespmem:s9], [sflag:$0x1] =	stream.indirect_vreg.gather [hbm4b:s5+s3], $0x80, v4, vm0, $0xb8;
	[tilespmem:$0x1A000] =	vst v63  }
0x182: {  	s10 =	simm.s32 $0x7000;
	v3 =	vadd.s32 v1, v3  }
0x183: {  	[tilespmem:s10], [sflag:$0x1] =	stream.indirect_vreg.gather [hbm4b:s7+s3], $0x80, v4, vm0, $0xb8;
	[tilespmem:$0x1A000] =	vst v63  }
0x184: {  	s12 =	simm.s32 $0x7800  }
0x185: {  	[tilespmem:s12], [sflag:$0x1] =	stream.indirect_vreg.gather [hbm4b:s8+s3], $0x80, v4, vm0, $0xb8;
	[tilespmem:$0x1A000] =	vst v63  }
0x186: {  	s14 =	simm.s32 $0x8000  }
0x187: {  	[tilespmem:s14], [sflag:$0x1] =	stream.indirect_vreg.gather [hbm4b:s2+s3], $0x80, v3, vm0, $0xb8;
	[tilespmem:$0x1A000] =	vst v63  }
0x188: {  	s15 =	simm.s32 $0x8800  }
0x189: {  	[tilespmem:s15], [sflag:$0x1] =	stream.indirect_vreg.gather [hbm4b:s5+s3], $0x80, v3, vm0, $0xb8;
	[tilespmem:$0x1A000] =	vst v63  }
0x18a: {  	s22 =	simm.s32 $0x9000  }
0x18b: {  	[tilespmem:s22], [sflag:$0x1] =	stream.indirect_vreg.gather [hbm4b:s7+s3], $0x80, v3, vm0, $0xb8;
	[tilespmem:$0x1A000] =	vst v63  }
0x18c: {  	s23 =	simm.s32 $0x9800  }
0x18d: {  	[tilespmem:s23], [sflag:$0x1] =	stream.indirect_vreg.gather [hbm4b:s8+s3], $0x80, v3, vm0, $0xb8;
	[tilespmem:$0x1A000] =	vst v63  }
0x18e: {  	_ =	swait.ge [sflag:s6], $0x4000  }
0x18f: {  	[sflag:s6] =	ssyncset.done $0x0  }
0x190: {  	s24 =	rddreg [dreg:$0xb];
	[sflag:s6] =	ssyncadd.s32 $0xFFFFC000  }
0x191: {  	[hbm4b:s24+s3] =	stream.linear.scatter [tilespmem:s13], [sflag:$0x2], $0x4000, $0x38;
	[tilespmem:$0x1A000] =	vst v63  }
0x192: {  	_ =	swait.ge [sflag:s18], $0x4000  }
0x193: {  	[sflag:s18] =	ssyncset.done $0x0  }
0x194: {  	[sflag:s18] =	ssyncadd.s32 $0xFFFFC000  }
0x195: {  	v3 =	vld [tilespmem:$0x1F00];
	_ =	sdelay $0x4  }
0x196: {  	v62 =	vshll.u32 v3, $0x3  }
0x197: {  	v3 =	vand.u32 $0x7, v3;
	v4 =	vand.u32 $0xFFFFFFC0, v62  }
0x198: {  	v3 =	vor.u32 v3, v4  }
0x199: {  	v4 =	vperm.xlane v3, v0;
	_ =	sdelay $0x1  }
0x19a: {  	v4 =	vadd.s32 v1, v4;
	_ =	sdelay $0x4  }
0x19b: {  	[tilespmem:s11], [sflag:$0x1] =	stream.indirect_vreg.gather [hbm4b:s2+s3], $0x80, v4, vm0, $0xb8;
	[tilespmem:$0x1A000] =	vst v63  }
0x19c: {  	s25 =	simm.s32 $0xA800;
	v3 =	vperm.xlane v3, v2  }
0x19d: {  	[tilespmem:s25], [sflag:$0x1] =	stream.indirect_vreg.gather [hbm4b:s5+s3], $0x80, v4, vm0, $0xb8;
	[tilespmem:$0x1A000] =	vst v63  }
0x19e: {  	s9 =	simm.s32 $0xB000;
	v3 =	vadd.s32 v1, v3  }
0x19f: {  	[tilespmem:s9], [sflag:$0x1] =	stream.indirect_vreg.gather [hbm4b:s7+s3], $0x80, v4, vm0, $0xb8;
	[tilespmem:$0x1A000] =	vst v63  }
0x1a0: {  	s10 =	simm.s32 $0xB800  }
0x1a1: {  	[tilespmem:s10], [sflag:$0x1] =	stream.indirect_vreg.gather [hbm4b:s8+s3], $0x80, v4, vm0, $0xb8;
	[tilespmem:$0x1A000] =	vst v63  }
0x1a2: {  	s12 =	simm.s32 $0xC000  }
0x1a3: {  	[tilespmem:s12], [sflag:$0x1] =	stream.indirect_vreg.gather [hbm4b:s2+s3], $0x80, v3, vm0, $0xb8;
	[tilespmem:$0x1A000] =	vst v63  }
0x1a4: {  	s14 =	simm.s32 $0xC800  }
0x1a5: {  	[tilespmem:s14], [sflag:$0x1] =	stream.indirect_vreg.gather [hbm4b:s5+s3], $0x80, v3, vm0, $0xb8;
	[tilespmem:$0x1A000] =	vst v63  }
0x1a6: {  	s15 =	simm.s32 $0xD000  }
0x1a7: {  	[tilespmem:s15], [sflag:$0x1] =	stream.indirect_vreg.gather [hbm4b:s7+s3], $0x80, v3, vm0, $0xb8;
	[tilespmem:$0x1A000] =	vst v63  }
0x1a8: {  	s22 =	simm.s32 $0xD800  }
0x1a9: {  	[tilespmem:s22], [sflag:$0x1] =	stream.indirect_vreg.gather [hbm4b:s8+s3], $0x80, v3, vm0, $0xb8;
	[tilespmem:$0x1A000] =	vst v63  }
0x1aa: {  	_ =	swait.ge [sflag:s6], $0x4000  }
0x1ab: {  	[sflag:s6] =	ssyncset.done $0x0  }
0x1ac: {  	s23 =	rddreg [dreg:$0xc];
	[sflag:s6] =	ssyncadd.s32 $0xFFFFC000  }
0x1ad: {  	[hbm4b:s23+s3] =	stream.linear.scatter [tilespmem:s20], [sflag:$0x2], $0x4000, $0x38;
	[tilespmem:$0x1A000] =	vst v63  }
0x1ae: {  	_ =	swait.ge [sflag:s18], $0x4000  }
0x1af: {  	[sflag:s18] =	ssyncset.done $0x0  }
0x1b0: {  	[sflag:s18] =	ssyncadd.s32 $0xFFFFC000  }
0x1b1: {  	v3 =	vld [tilespmem:$0x1F80];
	_ =	sdelay $0x4  }
0x1b2: {  	v63 =	vshll.u32 v3, $0x3  }
0x1b3: {  	v3 =	vand.u32 $0x7, v3;
	v4 =	vand.u32 $0xFFFFFFC0, v63  }
0x1b4: {  	v3 =	vor.u32 v3, v4  }
0x1b5: {  	v4 =	vperm.xlane v3, v0;
	_ =	sdelay $0x1  }
0x1b6: {  	v4 =	vadd.s32 v1, v4;
	_ =	sdelay $0x4  }
0x1b7: {  	[tilespmem:s19], [sflag:$0x1] =	stream.indirect_vreg.gather [hbm4b:s2+s3], $0x80, v4, vm0, $0xb8;
	[tilespmem:$0x1A000] =	vst v63  }
0x1b8: {  	s24 =	simm.s32 $0xE800;
	v3 =	vperm.xlane v3, v2  }
0x1b9: {  	[tilespmem:s24], [sflag:$0x1] =	stream.indirect_vreg.gather [hbm4b:s5+s3], $0x80, v4, vm0, $0xb8;
	[tilespmem:$0x1A000] =	vst v63  }
0x1ba: {  	s25 =	simm.s32 $0xF000;
	v3 =	vadd.s32 v1, v3  }
0x1bb: {  	[tilespmem:s25], [sflag:$0x1] =	stream.indirect_vreg.gather [hbm4b:s7+s3], $0x80, v4, vm0, $0xb8;
	[tilespmem:$0x1A000] =	vst v63  }
0x1bc: {  	s9 =	simm.s32 $0xF800  }
0x1bd: {  	[tilespmem:s9], [sflag:$0x1] =	stream.indirect_vreg.gather [hbm4b:s8+s3], $0x80, v4, vm0, $0xb8;
	[tilespmem:$0x1A000] =	vst v63  }
0x1be: {  	s10 =	simm.s32 $0x10000  }
0x1bf: {  	[tilespmem:s10], [sflag:$0x1] =	stream.indirect_vreg.gather [hbm4b:s2+s3], $0x80, v3, vm0, $0xb8;
	[tilespmem:$0x1A000] =	vst v63  }
0x1c0: {  	s12 =	simm.s32 $0x10800  }
0x1c1: {  	[tilespmem:s12], [sflag:$0x1] =	stream.indirect_vreg.gather [hbm4b:s5+s3], $0x80, v3, vm0, $0xb8;
	[tilespmem:$0x1A000] =	vst v63  }
0x1c2: {  	s14 =	simm.s32 $0x11000  }
0x1c3: {  	[tilespmem:s14], [sflag:$0x1] =	stream.indirect_vreg.gather [hbm4b:s7+s3], $0x80, v3, vm0, $0xb8;
	[tilespmem:$0x1A000] =	vst v63  }
0x1c4: {  	_ = 	snop  }
0x1c5: {  	[tilespmem:s28], [sflag:$0x1] =	stream.indirect_vreg.gather [hbm4b:s8+s3], $0x80, v3, vm0, $0xb8;
	[tilespmem:$0x1A000] =	vst v63  }
0x1c6: {  	_ =	swait.ge [sflag:s6], $0x4000  }
0x1c7: {  	[sflag:s6] =	ssyncset.done $0x0  }
0x1c8: {  	s15 =	rddreg [dreg:$0xd];
	[sflag:s6] =	ssyncadd.s32 $0xFFFFC000  }
0x1c9: {  	[hbm4b:s15+s3] =	stream.linear.scatter [tilespmem:s29], [sflag:$0x2], $0x4000, $0x38;
	[tilespmem:$0x1A000] =	vst v63  }
0x1ca: {  	_ =	swait.ge [sflag:s18], $0x4000  }
0x1cb: {  	[sflag:s18] =	ssyncset.done $0x0  }
0x1cc: {  	[sflag:s18] =	ssyncadd.s32 $0xFFFFC000  }
0x1cd: {  	_ =	swait.ge [sflag:s6], $0x4000  }
0x1ce: {  	[sflag:s6] =	ssyncset.done $0x0  }
0x1cf: {  	s22 =	rddreg [dreg:$0xe];
	[sflag:s6] =	ssyncadd.s32 $0xFFFFC000  }
0x1d0: {  	[hbm4b:s22+s3] =	stream.linear.scatter [tilespmem:s11], [sflag:$0x2], $0x4000, $0x38;
	[tilespmem:$0x1A000] =	vst v63  }
0x1d1: {  	_ =	swait.ge [sflag:s18], $0x4000  }
0x1d2: {  	[sflag:s18] =	ssyncset.done $0x0  }
0x1d3: {  	[sflag:s18] =	ssyncadd.s32 $0xFFFFC000  }
0x1d4: {  	_ =	swait.ge [sflag:s6], $0x4000  }
0x1d5: {  	[sflag:s6] =	ssyncset.done $0x0  }
0x1d6: {  	s23 =	rddreg [dreg:$0xf];
	[sflag:s6] =	ssyncadd.s32 $0xFFFFC000  }
0x1d7: {  	[hbm4b:s23+s3] =	stream.linear.scatter [tilespmem:s19], [sflag:$0x2], $0x4000, $0x38;
	[tilespmem:$0x1A000] =	vst v63  }
0x1d8: {  	_ =	swait.ge [sflag:s18], $0x4000  }
0x1d9: {  	[sflag:s18] =	ssyncset.done $0x0  }
0x1da: {  	[sflag:s18] =	ssyncadd.s32 $0xFFFFC000  }
0x1db: {  	_ =	swait.ge [sflag:s18], $0x4000  }
0x1dc: {  	[sflag:s18] =	ssyncset.done $0x0  }
0x1dd: {  	[sflag:s18] =	ssyncadd.s32 $0xFFFFC000  }
0x1de: {  	_ =	swait.ge [sflag:s18], $0x4000  }
0x1df: {  	[sflag:s18] =	ssyncset.done $0x0  }
0x1e0: {  	[sflag:s18] =	ssyncadd.s32 $0xFFFFC000  }
0x1e1: {  	_ =	swait.ge [sflag:s18], $0x4000  }
0x1e2: {  	s25 =	rddreg [dreg:$0x11]  }
0x1e3: {  	s24 =	rddreg [dreg:$0x10];
	s25 =	sadd.s32 $0x1, s25  }
0x1e4: {  	p0 =	sne.s32 s25, s24  }
.Ltmp1:
0x1e5: {  	_ = 	snop;
	(pc) =	sbr.rel @p0 .LBB2_1-.Ltmp1, $4  }
0x1e6: {  	s9 =	simm.s32 $0x13000  }
0x1e7: {  	s10 =	simm.s32 $0x13800;
	s12 =	simm.s32 $0x14000;
	s14 =	simm.s32 $0x15000  }
0x1e8: {  	s15 =	simm.s32 $0x16800;
	s22 =	simm.s32 $0x14800;
	[sflag:s18] =	ssyncset.done $0x0  }
0x1e9: {  	s23 =	simm.s32 $0x15800;
	[sflag:s18] =	ssyncadd.s32 $0xFFFFC000;
	s24 =	simm.s32 $0x17000  }
0x1ea: {  	_ =	sfence.sel $0x180000  }
0x1eb: {  	[bflag:$0x0] =	sbarrier.arrive $0xFFFF  }
0x1ec: {  	_ =	strace $0x90000047  }
0x1ed: {  	s0 =	stileid.u32;
	[bflag:$0x2] =	sbarrier.arrive $0xFFFF  }
0x1ee: {  	p0 =	sne.s32 s0, $0x0;
	s0 =	rddreg [dreg:$0x3]  }
0x1ef: {  	s0 =	sadd.s32 @!p0 $0x100000, s0  }
0x1f0: {  	[sflag:s0] =	ssyncadd.tile.s32 @!p0 $0x1;
	_ =	shalt  }
.Lfunc_end2:
_tile_overlayer_lowered:
.L_overlay_start_2:
0x1f1: {  	(tag) =	ssettag $0x2  }
0x1f2: {  	s0 =	rddreg [dreg:$0x0];
	s2 =	stileid.u32  }
0x1f3: {  	s1 =	rddreg [dreg:$0x1];
	p0 =	sne.s32 s2, $0x0  }
0x1f4: {  	s3 =	rddreg [dreg:$0x2];
	[bflag:$0x3] =	sbarrier.arrive $0xFFFF;
	s2 =	simm.s32 @!p0 $0x1C03  }
0x1f5: {  	[timem:s3], [sflag:s2] =	dma.local @!p0 [hbm:s0], s1  }
0x1f6: {  	s0 =	simm.s32 @!p0 $0x3  }
0x1f7: {  	_ =	swait.ge @!p0 [sflag:s0], s1  }
0x1f8: {  	s1 =	ssub.s32 @!p0 $0x0, s1;
	[sflag:s0] =	ssyncset.done @!p0 $0x0  }
0x1f9: {  	[sflag:s0] =	ssyncadd.s32 @!p0 s1  }
0x1fa: {  	[bflag:$0x3] =	sbarrier.arrive $0xFFFF  }
0x1fb: {  	_ =	shalt  }

</sc_bundles>
